<compile_context>
chip_gen: v7x
topology: tpu7x:2x2x1
jax: 0.10.2.dev20260603
libtpu: 0.0.44.dev20260713+nightly
codegen_flags: <defaults>
</compile_context>

<pallas_src>
import functools

import jax
import jax.numpy as jnp
from jax import lax
from jax.experimental import pallas as pl
from jax.experimental.pallas import tpu as pltpu
from jax.experimental.pallas import tpu_sc as plsc

N = 10000
NE = 320000
NC = 2
NS = 16
CH = 128
NEP = 327680
ACC = 10240
RPT = ACC // NS

_MESH = dict(core_axis_name="c", subcore_axis_name="s", num_cores=NC,
             num_subcores=NS)


def _sc_degree(dst2d):
    cpt = NEP // (NC * NS) // CH

    @functools.partial(
        pl.kernel,
        out_type=jax.ShapeDtypeStruct((NC * NS, ACC), jnp.float32),
        mesh=plsc.VectorSubcoreMesh(**_MESH),
        compiler_params=pltpu.CompilerParams(needs_layout_passes=False),
        scratch_types=[
            pltpu.VMEM((cpt, CH), jnp.int32),
            pltpu.VMEM((ACC,), jnp.float32),
        ],
    )
    def k(dst_hbm, out_hbm, idx_v, hist_v):
        c = lax.axis_index("c")
        s = lax.axis_index("s")
        w = c * NS + s
        pltpu.sync_copy(dst_hbm.at[pl.ds(w * cpt, cpt)], idx_v)
        zeros16 = jnp.zeros((16,), jnp.float32)
        ones16 = jnp.ones((16,), jnp.float32)

        def zbody(i, carry):
            hist_v[pl.ds(i * 16, 16)] = zeros16
            return carry

        lax.fori_loop(0, ACC // 16, zbody, 0)

        def body(j, carry):
            def inner(k2, carry2):
                v = idx_v[j, pl.ds(k2 * 16, 16)]
                plsc.addupdate_scatter(hist_v, [v], ones16)
                return carry2

            lax.fori_loop(0, CH // 16, inner, 0)
            return carry

        lax.fori_loop(0, cpt, body, 0)
        pltpu.sync_copy(hist_v, out_hbm.at[w])

    return k(dst2d)


G = 40


def _agg_body(tbl_hbm, src_at, dst_at, zeros_hbm, out_hbm,
              idxs_v, idxd_v, rowsA, rowsB, acc_sh,
              gA, gB, sA, sB, osem, s, c, cpt):

    def _gather(jg, buf, sem):
        pltpu.async_copy(tbl_hbm.at[idxs_v.at[jg]], buf, sem)

    def _gather_wait(buf, sem):
        pltpu.make_async_copy(tbl_hbm.at[idxs_v.at[0]], buf, sem).wait()

    def _scat(jg, buf, sem):
        pltpu.async_copy(buf, acc_sh.at[idxd_v.at[jg]], sem, add=True)

    def _scat_wait(buf, sem):
        pltpu.make_async_copy(buf, acc_sh.at[idxd_v.at[0]], sem).wait()

    pltpu.async_copy(zeros_hbm, acc_sh.at[pl.ds(s * RPT, RPT)], osem).wait()
    plsc.subcore_barrier()

    def group(g, carry):
        pltpu.sync_copy(src_at(g), idxs_v)
        pltpu.sync_copy(dst_at(g), idxd_v)
        _gather(0, rowsA, gA)

        def pair(t, carry2):
            j0 = 2 * t
            _gather_wait(rowsA, gA)

            @pl.when(t > 0)
            def _():
                _scat_wait(rowsB, sB)

            _gather(j0 + 1, rowsB, gB)
            _scat(j0, rowsA, sA)
            _gather_wait(rowsB, gB)
            _scat_wait(rowsA, sA)

            @pl.when(t < G // 2 - 1)
            def _():
                _gather(j0 + 2, rowsA, gA)

            _scat(j0 + 1, rowsB, sB)
            return carry2

        lax.fori_loop(0, G // 2, pair, 0)
        _scat_wait(rowsB, sB)
        return carry

    lax.fori_loop(0, cpt // G, group, 0)
    plsc.subcore_barrier()
    pltpu.async_copy(acc_sh.at[pl.ds(s * RPT, RPT)],
                     out_hbm.at[c, pl.ds(s * RPT, RPT)], osem).wait()


def _sc_agg_edges(tbl, src2d, dst2d, zeros_b):
    cpt = NEP // (NC * NS) // CH

    @functools.partial(
        pl.kernel,
        out_type=jax.ShapeDtypeStruct((NC, ACC, 128), jnp.float32),
        mesh=plsc.VectorSubcoreMesh(**_MESH),
        scratch_types=[
            pltpu.VMEM((G, CH), jnp.int32),
            pltpu.VMEM((G, CH), jnp.int32),
            pltpu.VMEM((CH, 128), jnp.float32),
            pltpu.VMEM((CH, 128), jnp.float32),
            pltpu.VMEM_SHARED((ACC, 128), jnp.float32),
            pltpu.SemaphoreType.DMA,
            pltpu.SemaphoreType.DMA,
            pltpu.SemaphoreType.DMA,
            pltpu.SemaphoreType.DMA,
            pltpu.SemaphoreType.DMA,
        ],
    )
    def k(tbl_hbm, src_hbm, dst_hbm, zeros_hbm, out_hbm,
          idxs_v, idxd_v, rowsA, rowsB, acc_sh, gA, gB, sA, sB, osem):
        c = lax.axis_index("c")
        s = lax.axis_index("s")
        w = c * NS + s
        _agg_body(tbl_hbm,
                  lambda g: src_hbm.at[pl.ds((w * cpt) + g * G, G)],
                  lambda g: dst_hbm.at[pl.ds((w * cpt) + g * G, G)],
                  zeros_hbm, out_hbm, idxs_v, idxd_v, rowsA, rowsB,
                  acc_sh, gA, gB, sA, sB, osem, s, c, cpt)

    return k(tbl, src2d, dst2d, zeros_b)


def _sc_agg_feats(tbl2, src2, dst2d, zeros_b):
    cpt = NEP // NS // CH

    @functools.partial(
        pl.kernel,
        out_type=jax.ShapeDtypeStruct((NC, ACC, 128), jnp.float32),
        mesh=plsc.VectorSubcoreMesh(**_MESH),
        scratch_types=[
            pltpu.VMEM((G, CH), jnp.int32),
            pltpu.VMEM((G, CH), jnp.int32),
            pltpu.VMEM((CH, 128), jnp.float32),
            pltpu.VMEM((CH, 128), jnp.float32),
            pltpu.VMEM_SHARED((ACC, 128), jnp.float32),
            pltpu.SemaphoreType.DMA,
            pltpu.SemaphoreType.DMA,
            pltpu.SemaphoreType.DMA,
            pltpu.SemaphoreType.DMA,
            pltpu.SemaphoreType.DMA,
        ],
    )
    def k(tbl_hbm, src_hbm, dst_hbm, zeros_hbm, out_hbm,
          idxs_v, idxd_v, rowsA, rowsB, acc_sh, gA, gB, sA, sB, osem):
        c = lax.axis_index("c")
        s = lax.axis_index("s")
        _agg_body(tbl_hbm,
                  lambda g: src_hbm.at[c, pl.ds(s * cpt + g * G, G)],
                  lambda g: dst_hbm.at[pl.ds(s * cpt + g * G, G)],
                  zeros_hbm, out_hbm, idxs_v, idxd_v, rowsA, rowsB,
                  acc_sh, gA, gB, sA, sB, osem, s, c, cpt)

    return k(tbl2, src2, dst2d, zeros_b)


BR = 5000


def _tc_prep(hist_t, x):
    def body(hp, x_ref, y1_ref, dinv_ref):
        deg = jnp.sum(hp[...], axis=1, keepdims=True) + 1.0
        dinv = lax.rsqrt(deg)
        y1_ref[...] = x_ref[...] * dinv
        dinv_ref[...] = jnp.broadcast_to(dinv, (BR, 128))

    return pl.pallas_call(
        body,
        grid=(N // BR,),
        in_specs=[
            pl.BlockSpec((BR, NC * NS), lambda i: (i, 0)),
            pl.BlockSpec((BR, 128), lambda i: (i, 0)),
        ],
        out_specs=[
            pl.BlockSpec((BR, 128), lambda i: (i, 0)),
            pl.BlockSpec((BR, 128), lambda i: (i, 0)),
        ],
        out_shape=[jax.ShapeDtypeStruct((N, 128), jnp.float32)] * 2,
    )(hist_t, x)


def _tc_layer1(s1, x, dinvb, W1, b1):
    def body(sp0, sp1, x_ref, dv_ref, w_ref, b_ref, h_ref, y2_ref):
        dv = dv_ref[...]
        ax = dv * (sp0[0] + sp1[0]) + dv * dv * x_ref[...]
        h = jnp.dot(ax, w_ref[...], preferred_element_type=jnp.float32) + b_ref[...]
        h_ref[...] = h
        y2_ref[...] = jnp.concatenate([dv, dv], axis=1) * h

    return pl.pallas_call(
        body,
        grid=(N // BR,),
        in_specs=[
            pl.BlockSpec((1, BR, 128), lambda i: (0, i, 0)),
            pl.BlockSpec((1, BR, 128), lambda i: (1, i, 0)),
            pl.BlockSpec((BR, 128), lambda i: (i, 0)),
            pl.BlockSpec((BR, 128), lambda i: (i, 0)),
            pl.BlockSpec((128, 256), lambda i: (0, 0)),
            pl.BlockSpec((1, 256), lambda i: (0, 0)),
        ],
        out_specs=[
            pl.BlockSpec((BR, 256), lambda i: (i, 0)),
            pl.BlockSpec((BR, 256), lambda i: (i, 0)),
        ],
        out_shape=[jax.ShapeDtypeStruct((N, 256), jnp.float32)] * 2,
    )(s1, s1, x, dinvb, W1, b1)


def _tc_layer23(s2, h, dinvb, W_mean, b_mean, W_logstd, b_logstd):
    def body(sa, sb, h_ref, dv_ref, wm_ref, bm_ref, wl_ref, bl_ref,
             mean_ref, logstd_ref):
        dv = dv_ref[...]
        dv2 = jnp.concatenate([dv, dv], axis=1)
        ah = dv2 * jnp.concatenate([sa[0], sb[0]], axis=1) + dv2 * dv2 * h_ref[...]
        mean_ref[...] = (
            jnp.dot(ah, wm_ref[...], preferred_element_type=jnp.float32) + bm_ref[...]
        )
        logstd_ref[...] = (
            jnp.dot(ah, wl_ref[...], preferred_element_type=jnp.float32) + bl_ref[...]
        )

    return pl.pallas_call(
        body,
        grid=(N // BR,),
        in_specs=[
            pl.BlockSpec((1, BR, 128), lambda i: (0, i, 0)),
            pl.BlockSpec((1, BR, 128), lambda i: (1, i, 0)),
            pl.BlockSpec((BR, 256), lambda i: (i, 0)),
            pl.BlockSpec((BR, 128), lambda i: (i, 0)),
            pl.BlockSpec((256, 128), lambda i: (0, 0)),
            pl.BlockSpec((1, 128), lambda i: (0, 0)),
            pl.BlockSpec((256, 128), lambda i: (0, 0)),
            pl.BlockSpec((1, 128), lambda i: (0, 0)),
        ],
        out_specs=[
            pl.BlockSpec((BR, 128), lambda i: (i, 0)),
            pl.BlockSpec((BR, 128), lambda i: (i, 0)),
        ],
        out_shape=[jax.ShapeDtypeStruct((N, 128), jnp.float32)] * 2,
    )(s2, s2, h, dinvb, W_mean, b_mean, W_logstd, b_logstd)


def kernel(x, edge_index, W1, b1, W_mean, b_mean, W_logstd, b_logstd):
    x = x.astype(jnp.float32)
    src = edge_index[0].astype(jnp.int32)
    dst = edge_index[1].astype(jnp.int32)
    pad = NEP - NE
    srcp = jnp.concatenate([src, jnp.arange(pad, dtype=jnp.int32) % N])
    dump = N + jnp.arange(pad, dtype=jnp.int32) % (ACC - N)
    dstp = jnp.concatenate([dst, dump])
    src2d = srcp.reshape(NEP // CH, CH)
    dst2d = dstp.reshape(NEP // CH, CH)
    src2 = jnp.stack([srcp * 2, srcp * 2 + 1]).reshape(NC, NEP // CH, CH)
    zeros_b = jnp.zeros((RPT, 128), jnp.float32)

    hist = _sc_degree(dst2d)
    y1, dinvb = _tc_prep(hist.T, x)
    s1 = _sc_agg_edges(y1, src2d, dst2d, zeros_b)
    h, y2 = _tc_layer1(s1, x, dinvb, W1,
                       b1.reshape(1, 256))
    s2 = _sc_agg_feats(y2.reshape(2 * N, 128), src2, dst2d,
                       zeros_b)
    mean, logstd = _tc_layer23(s2, h, dinvb,
                               W_mean, b_mean.reshape(1, 128),
                               W_logstd, b_logstd.reshape(1, 128))
    return (mean, logstd)

# --- scband reference (transcript-rebuilt; emitter-appended) ---
"""Pipeline reference for scband-variational-graph-encoder-78529182040289 (READ-ONLY COPY).

The authoritative reference and input builder live on the scoring server;
editing this copy changes nothing except your own understanding.
"""

import jax, jax.numpy as jnp
import numpy as np

N_NODES = 10000
N_EDGES = 320000
IN_DIM = 128
HID_DIM = 256
OUT_DIM = 128


def gcn_conv(x, edge_index, W, b):
    """Faithful GCNConv (Kipf & Welling): add self-loops, symmetric normalization,
    linear transform, scatter-add aggregation, plus bias."""
    num_nodes = x.shape[0]
    src = edge_index[0]
    dst = edge_index[1]
    # add self loops
    loop = jnp.arange(num_nodes, dtype=src.dtype)
    src = jnp.concatenate([src, loop])
    dst = jnp.concatenate([dst, loop])
    # degree (of destination nodes) with unit edge weights
    deg = jnp.zeros((num_nodes,), dtype=x.dtype).at[dst].add(1.0)
    deg_inv_sqrt = jnp.where(deg > 0, deg ** -0.5, 0.0)
    norm = deg_inv_sqrt[src] * deg_inv_sqrt[dst]
    # linear transform then message passing
    xW = x @ W
    msg = xW[src] * norm[:, None]
    out = jnp.zeros((num_nodes, W.shape[1]), dtype=x.dtype).at[dst].add(msg)
    return out + b


def setup_inputs(seed: int = 0) -> dict:
    key = jax.random.key(seed)
    k = jax.random.split(key, 8)
    x = jax.random.normal(k[0], (N_NODES, IN_DIM), dtype=jnp.float32)
    edge_index = jax.random.randint(k[1], (2, N_EDGES), 0, N_NODES, dtype=jnp.int64)
    # glorot-style init for GCN weights
    s1 = (6.0 / (IN_DIM + HID_DIM)) ** 0.5
    s2 = (6.0 / (HID_DIM + OUT_DIM)) ** 0.5
    W1 = jax.random.uniform(k[2], (IN_DIM, HID_DIM), minval=-s1, maxval=s1, dtype=jnp.float32)
    b1 = jnp.zeros((HID_DIM,), dtype=jnp.float32)
    W_mean = jax.random.uniform(k[3], (HID_DIM, OUT_DIM), minval=-s2, maxval=s2, dtype=jnp.float32)
    b_mean = jnp.zeros((OUT_DIM,), dtype=jnp.float32)
    W_logstd = jax.random.uniform(k[4], (HID_DIM, OUT_DIM), minval=-s2, maxval=s2, dtype=jnp.float32)
    b_logstd = jnp.zeros((OUT_DIM,), dtype=jnp.float32)
    return {
        "x": x,
        "edge_index": edge_index,
        "W1": W1,
        "b1": b1,
        "W_mean": W_mean,
        "b_mean": b_mean,
        "W_logstd": W_logstd,
        "b_logstd": b_logstd,
    }


def reference(x, edge_index, W1, b1, W_mean, b_mean, W_logstd, b_logstd):
    x = x.astype(jnp.float32)
    h = gcn_conv(x, edge_index, W1, b1)
    mean = gcn_conv(h, edge_index, W_mean, b_mean)
    logstd = gcn_conv(h, edge_index, W_logstd, b_logstd)
    return (mean, logstd)

if __name__ == "__main__":
    import jax
    _d = setup_inputs()
    print(jax.jit(kernel)(*tuple(_d.values())))

</pallas_src>

<mosaic_0001>
#map = affine_map<(d0, d1) -> (0, 0)>
module attributes {stable_mosaic.version = 14 : i64} {
  func.func @k(%arg0: i32, %arg1: i32, %arg2: memref<2560x128xi32, #tpu.memory_space<hbm>>, %arg3: memref<32x10240xf32, #tpu.memory_space<hbm>>, %arg4: memref<80x128xi32, #tpu.memory_space<vmem>>, %arg5: memref<10240xf32, #tpu.memory_space<vmem>>) attributes {dimension_semantics = [#tpu.dimension_semantics<core_parallel>, #tpu.dimension_semantics<subcore_parallel>], iteration_bounds = array<i64: 2, 16>, scalar_prefetch = 0 : i64, scratch_operands = 2 : i64, tpu.core_type = #tpu.core_type<sc_vector_subcore>, window_params = [{transform_indices = #map}, {transform_indices = #map}]} {
    %mul3A = arith.constant 16 : i32
    %mul3A_0 = arith.muli %arg0, %mul3A : i32
    %add3A = arith.addi %mul3A_0, %arg1 : i32
    %mul3A_1 = arith.constant 80 : i32
    %mul3A_2 = arith.muli %add3A, %mul3A_1 : i32
    "tpu.region"() ({
      %run_scoped3A = tpu.sem_alloc : memref<!tpu.dma_semaphore, #tpu.memory_space<semaphore_mem>>
      %dma_start3A = arith.constant 0 : i32
      %dma_start3A_17 = tpu.memref_slice %arg2[%mul3A_2, %dma_start3A] : memref<2560x128xi32, #tpu.memory_space<hbm>> -> memref<80x128xi32, #tpu.memory_space<hbm>>
      %dma_start3A_18 = arith.constant 0 : i32
      %dma_start3A_19 = tpu.memref_slice %arg2[%mul3A_2, %dma_start3A_18] : memref<2560x128xi32, #tpu.memory_space<hbm>> -> memref<80x128xi32, #tpu.memory_space<hbm>>
      tpu.enqueue_dma source(%dma_start3A_19 : memref<80x128xi32, #tpu.memory_space<hbm>>) target(%arg4 : memref<80x128xi32, #tpu.memory_space<vmem>>) target_semaphore(%run_scoped3A : memref<!tpu.dma_semaphore, #tpu.memory_space<semaphore_mem>>)
      %dma_wait3A = arith.constant 0 : i32
      %dma_wait3A_20 = tpu.memref_slice %arg2[%mul3A_2, %dma_wait3A] : memref<2560x128xi32, #tpu.memory_space<hbm>> -> memref<80x128xi32, #tpu.memory_space<hbm>>
      %dma_wait3A_21 = arith.constant 0 : i32
      %dma_wait3A_22 = tpu.memref_slice %arg2[%mul3A_2, %dma_wait3A_21] : memref<2560x128xi32, #tpu.memory_space<hbm>> -> memref<80x128xi32, #tpu.memory_space<hbm>>
      tpu.wait_dma2 semaphore(%run_scoped3A : memref<!tpu.dma_semaphore, #tpu.memory_space<semaphore_mem>>) src(%dma_wait3A_22 : memref<80x128xi32, #tpu.memory_space<hbm>>) dst(%arg4 : memref<80x128xi32, #tpu.memory_space<vmem>>)
      tpu.yield
    }) : () -> ()
    %broadcast_in_dim3A = arith.constant 0.000000e+00 : f32
    %broadcast_in_dim3A_3 = vector.broadcast %broadcast_in_dim3A : f32 to vector<16xf32>
    %broadcast_in_dim3A_4 = arith.constant 1.000000e+00 : f32
    %broadcast_in_dim3A_5 = vector.broadcast %broadcast_in_dim3A_4 : f32 to vector<16xf32>
    %scan3A = arith.constant 0 : i32
    %scan3A_6 = arith.constant 0 : i32
    %scan3A_7 = arith.constant 640 : i32
    %scan3A_8 = arith.addi %scan3A_6, %scan3A_7 : i32
    %scan3A_9 = arith.constant 1 : i32
    scf.for %scan3A_17 = %scan3A_6 to %scan3A_8 step %scan3A_9  : i32 {
      %mul3A_18 = arith.constant 16 : i32
      %mul3A_19 = arith.muli %scan3A_17, %mul3A_18 : i32
      %swap3A = arith.index_cast %mul3A_19 : i32 to index
      %swap3A_20 = tpu.vector_load %arg5[%swap3A] {strides = array<i32>} : memref<10240xf32, #tpu.memory_space<vmem>>, vector<16xf32>,
      tpu.vector_store %arg5[%swap3A], %broadcast_in_dim3A_3 {strides = array<i32>} : memref<10240xf32, #tpu.memory_space<vmem>>, vector<16xf32>,
    }
    %scan3A_10 = arith.constant 640 : i32
    %scan3A_11 = arith.constant 0 : i32
    %scan3A_12 = arith.constant 0 : i32
    %scan3A_13 = arith.constant 80 : i32
    %scan3A_14 = arith.addi %scan3A_12, %scan3A_13 : i32
    %scan3A_15 = arith.constant 1 : i32
    scf.for %scan3A_17 = %scan3A_12 to %scan3A_14 step %scan3A_15  : i32 {
      %scan3A_18 = arith.constant 0 : i32
      %scan3A_19 = arith.constant 0 : i32
      %scan3A_20 = arith.constant 8 : i32
      %scan3A_21 = arith.addi %scan3A_19, %scan3A_20 : i32
      %scan3A_22 = arith.constant 1 : i32
      scf.for %scan3A_24 = %scan3A_19 to %scan3A_21 step %scan3A_22  : i32 {
        %mul3A_25 = arith.constant 16 : i32
        %mul3A_26 = arith.muli %scan3A_24, %mul3A_25 : i32
        %get3A = arith.index_cast %scan3A_17 : i32 to index
        %get3A_27 = arith.index_cast %mul3A_26 : i32 to index
        %get3A_28 = tpu.vector_load %arg4[%get3A, %get3A_27] {strides = array<i32>} : memref<80x128xi32, #tpu.memory_space<vmem>>, vector<16xi32>,
        tpu.vector_store_idx %arg5[%get3A_28], %broadcast_in_dim3A_5 {add = true} : memref<10240xf32, #tpu.memory_space<vmem>>[vector<16xi32>], vector<16xf32>,
      }
      %scan3A_23 = arith.constant 8 : i32
    }
    %scan3A_16 = arith.constant 80 : i32
    "tpu.region"() ({
      %run_scoped3A = tpu.sem_alloc : memref<!tpu.dma_semaphore, #tpu.memory_space<semaphore_mem>>
      %dma_start3A = arith.constant 0 : i32
      %dma_start3A_17 = tpu.memref_slice %arg3[%add3A, %dma_start3A] : memref<32x10240xf32, #tpu.memory_space<hbm>> -> memref<1x10240xf32, #tpu.memory_space<hbm>>
      %dma_start3A_18 = tpu.memref_squeeze %dma_start3A_17 : memref<1x10240xf32, #tpu.memory_space<hbm>> -> memref<10240xf32, #tpu.memory_space<hbm>>
      %dma_start3A_19 = arith.constant 0 : i32
      %dma_start3A_20 = tpu.memref_slice %arg3[%add3A, %dma_start3A_19] : memref<32x10240xf32, #tpu.memory_space<hbm>> -> memref<1x10240xf32, #tpu.memory_space<hbm>>
      %dma_start3A_21 = tpu.memref_squeeze %dma_start3A_20 : memref<1x10240xf32, #tpu.memory_space<hbm>> -> memref<10240xf32, #tpu.memory_space<hbm>>
      tpu.enqueue_dma source(%arg5 : memref<10240xf32, #tpu.memory_space<vmem>>) target(%dma_start3A_21 : memref<10240xf32, #tpu.memory_space<hbm>>) target_semaphore(%run_scoped3A : memref<!tpu.dma_semaphore, #tpu.memory_space<semaphore_mem>>)
      %dma_wait3A = arith.constant 0 : i32
      %dma_wait3A_22 = tpu.memref_slice %arg3[%add3A, %dma_wait3A] : memref<32x10240xf32, #tpu.memory_space<hbm>> -> memref<1x10240xf32, #tpu.memory_space<hbm>>
      %dma_wait3A_23 = tpu.memref_squeeze %dma_wait3A_22 : memref<1x10240xf32, #tpu.memory_space<hbm>> -> memref<10240xf32, #tpu.memory_space<hbm>>
      %dma_wait3A_24 = arith.constant 0 : i32
      %dma_wait3A_25 = tpu.memref_slice %arg3[%add3A, %dma_wait3A_24] : memref<32x10240xf32, #tpu.memory_space<hbm>> -> memref<1x10240xf32, #tpu.memory_space<hbm>>
      %dma_wait3A_26 = tpu.memref_squeeze %dma_wait3A_25 : memref<1x10240xf32, #tpu.memory_space<hbm>> -> memref<10240xf32, #tpu.memory_space<hbm>>
      tpu.wait_dma2 semaphore(%run_scoped3A : memref<!tpu.dma_semaphore, #tpu.memory_space<semaphore_mem>>) src(%arg5 : memref<10240xf32, #tpu.memory_space<vmem>>) dst(%dma_wait3A_26 : memref<10240xf32, #tpu.memory_space<hbm>>)
      tpu.yield
    }) : () -> ()
    return
  }
}

#map = affine_map<(d0, d1) -> (0, 0)>
#map1 = affine_map<(d0, d1) -> (0, 0, 0)>
module attributes {stable_mosaic.version = 14 : i64} {
  func.func @k(%arg0: i32, %arg1: i32, %arg2: memref<10000x128xf32, #tpu.memory_space<hbm>>, %arg3: memref<2560x128xi32, #tpu.memory_space<hbm>>, %arg4: memref<2560x128xi32, #tpu.memory_space<hbm>>, %arg5: memref<640x128xf32, #tpu.memory_space<hbm>>, %arg6: memref<2x10240x128xf32, #tpu.memory_space<hbm>>, %arg7: memref<40x128xi32, #tpu.memory_space<vmem>>, %arg8: memref<40x128xi32, #tpu.memory_space<vmem>>, %arg9: memref<128x128xf32, #tpu.memory_space<vmem>>, %arg10: memref<128x128xf32, #tpu.memory_space<vmem>>, %arg11: memref<10240x128xf32, #tpu.memory_space<vmem_shared>>, %arg12: memref<!tpu.dma_semaphore, #tpu.memory_space<semaphore_mem>>, %arg13: memref<!tpu.dma_semaphore, #tpu.memory_space<semaphore_mem>>, %arg14: memref<!tpu.dma_semaphore, #tpu.memory_space<semaphore_mem>>, %arg15: memref<!tpu.dma_semaphore, #tpu.memory_space<semaphore_mem>>, %arg16: memref<!tpu.dma_semaphore, #tpu.memory_space<semaphore_mem>>) attributes {dimension_semantics = [#tpu.dimension_semantics<core_parallel>, #tpu.dimension_semantics<subcore_parallel>], iteration_bounds = array<i64: 2, 16>, scalar_prefetch = 0 : i64, scratch_operands = 10 : i64, tpu.core_type = #tpu.core_type<sc_vector_subcore>, window_params = [{transform_indices = #map}, {transform_indices = #map}, {transform_indices = #map}, {transform_indices = #map}, {transform_indices = #map1}]} {
    %mul3A = arith.constant 16 : i32
    %mul3A_0 = arith.muli %arg0, %mul3A : i32
    %add3A = arith.addi %mul3A_0, %arg1 : i32
    %mul3A_1 = arith.constant 640 : i32
    %mul3A_2 = arith.muli %arg1, %mul3A_1 : i32
    %dma_start3A = arith.constant 0 : i32
    %dma_start3A_3 = tpu.memref_slice %arg11[%mul3A_2, %dma_start3A] : memref<10240x128xf32, #tpu.memory_space<vmem_shared>> -> memref<640x128xf32, #tpu.memory_space<vmem_shared>>
    tpu.enqueue_dma source(%arg5 : memref<640x128xf32, #tpu.memory_space<hbm>>) target(%dma_start3A_3 : memref<640x128xf32, #tpu.memory_space<vmem_shared>>) target_semaphore(%arg16 : memref<!tpu.dma_semaphore, #tpu.memory_space<semaphore_mem>>)
    %dma_wait3A = arith.constant 0 : i32
    %dma_wait3A_4 = tpu.memref_slice %arg11[%mul3A_2, %dma_wait3A] : memref<10240x128xf32, #tpu.memory_space<vmem_shared>> -> memref<640x128xf32, #tpu.memory_space<vmem_shared>>
    tpu.wait_dma2 semaphore(%arg16 : memref<!tpu.dma_semaphore, #tpu.memory_space<semaphore_mem>>) src(%arg5 : memref<640x128xf32, #tpu.memory_space<hbm>>) dst(%dma_wait3A_4 : memref<640x128xf32, #tpu.memory_space<vmem_shared>>)
    %barrier3A = arith.constant 0 : index
    tpu.barrier barrier_id(%barrier3A)
    %scan3A = arith.constant 0 : i32
    %scan3A_5 = arith.constant 0 : i32
    %scan3A_6 = arith.constant 2 : i32
    %scan3A_7 = arith.addi %scan3A_5, %scan3A_6 : i32
    %scan3A_8 = arith.constant 1 : i32
    scf.for %scan3A_25 = %scan3A_5 to %scan3A_7 step %scan3A_8  : i32 {
      %mul3A_26 = arith.constant 80 : i32
      %mul3A_27 = arith.muli %add3A, %mul3A_26 : i32
      %mul3A_28 = arith.constant 40 : i32
      %mul3A_29 = arith.muli %scan3A_25, %mul3A_28 : i32
      %add3A_30 = arith.addi %mul3A_27, %mul3A_29 : i32
      "tpu.region"() ({
        %run_scoped3A = tpu.sem_alloc : memref<!tpu.dma_semaphore, #tpu.memory_space<semaphore_mem>>
        %dma_start3A_56 = arith.constant 0 : i32
        %dma_start3A_57 = tpu.memref_slice %arg3[%add3A_30, %dma_start3A_56] : memref<2560x128xi32, #tpu.memory_space<hbm>> -> memref<40x128xi32, #tpu.memory_space<hbm>>
        %dma_start3A_58 = arith.constant 0 : i32
        %dma_start3A_59 = tpu.memref_slice %arg3[%add3A_30, %dma_start3A_58] : memref<2560x128xi32, #tpu.memory_space<hbm>> -> memref<40x128xi32, #tpu.memory_space<hbm>>
        tpu.enqueue_dma source(%dma_start3A_59 : memref<40x128xi32, #tpu.memory_space<hbm>>) target(%arg7 : memref<40x128xi32, #tpu.memory_space<vmem>>) target_semaphore(%run_scoped3A : memref<!tpu.dma_semaphore, #tpu.memory_space<semaphore_mem>>)
        %dma_wait3A_60 = arith.constant 0 : i32
        %dma_wait3A_61 = tpu.memref_slice %arg3[%add3A_30, %dma_wait3A_60] : memref<2560x128xi32, #tpu.memory_space<hbm>> -> memref<40x128xi32, #tpu.memory_space<hbm>>
        %dma_wait3A_62 = arith.constant 0 : i32
        %dma_wait3A_63 = tpu.memref_slice %arg3[%add3A_30, %dma_wait3A_62] : memref<2560x128xi32, #tpu.memory_space<hbm>> -> memref<40x128xi32, #tpu.memory_space<hbm>>
        tpu.wait_dma2 semaphore(%run_scoped3A : memref<!tpu.dma_semaphore, #tpu.memory_space<semaphore_mem>>) src(%dma_wait3A_63 : memref<40x128xi32, #tpu.memory_space<hbm>>) dst(%arg7 : memref<40x128xi32, #tpu.memory_space<vmem>>)
        tpu.yield
      }) : () -> ()
      %mul3A_31 = arith.constant 80 : i32
      %mul3A_32 = arith.muli %add3A, %mul3A_31 : i32
      %mul3A_33 = arith.constant 40 : i32
      %mul3A_34 = arith.muli %scan3A_25, %mul3A_33 : i32
      %add3A_35 = arith.addi %mul3A_32, %mul3A_34 : i32
      "tpu.region"() ({
        %run_scoped3A = tpu.sem_alloc : memref<!tpu.dma_semaphore, #tpu.memory_space<semaphore_mem>>
        %dma_start3A_56 = arith.constant 0 : i32
        %dma_start3A_57 = tpu.memref_slice %arg4[%add3A_35, %dma_start3A_56] : memref<2560x128xi32, #tpu.memory_space<hbm>> -> memref<40x128xi32, #tpu.memory_space<hbm>>
        %dma_start3A_58 = arith.constant 0 : i32
        %dma_start3A_59 = tpu.memref_slice %arg4[%add3A_35, %dma_start3A_58] : memref<2560x128xi32, #tpu.memory_space<hbm>> -> memref<40x128xi32, #tpu.memory_space<hbm>>
        tpu.enqueue_dma source(%dma_start3A_59 : memref<40x128xi32, #tpu.memory_space<hbm>>) target(%arg8 : memref<40x128xi32, #tpu.memory_space<vmem>>) target_semaphore(%run_scoped3A : memref<!tpu.dma_semaphore, #tpu.memory_space<semaphore_mem>>)
        %dma_wait3A_60 = arith.constant 0 : i32
        %dma_wait3A_61 = tpu.memref_slice %arg4[%add3A_35, %dma_wait3A_60] : memref<2560x128xi32, #tpu.memory_space<hbm>> -> memref<40x128xi32, #tpu.memory_space<hbm>>
        %dma_wait3A_62 = arith.constant 0 : i32
        %dma_wait3A_63 = tpu.memref_slice %arg4[%add3A_35, %dma_wait3A_62] : memref<2560x128xi32, #tpu.memory_space<hbm>> -> memref<40x128xi32, #tpu.memory_space<hbm>>
        tpu.wait_dma2 semaphore(%run_scoped3A : memref<!tpu.dma_semaphore, #tpu.memory_space<semaphore_mem>>) src(%dma_wait3A_63 : memref<40x128xi32, #tpu.memory_space<hbm>>) dst(%arg8 : memref<40x128xi32, #tpu.memory_space<vmem>>)
        tpu.yield
      }) : () -> ()
      %dma_start3A_36 = arith.constant 0 : i32
      %dma_start3A_37 = arith.constant 0 : i32
      %dma_start3A_38 = tpu.memref_slice %arg7[%dma_start3A_36, %dma_start3A_37] : memref<40x128xi32, #tpu.memory_space<vmem>> -> memref<1x128xi32, #tpu.memory_space<vmem>>
      %dma_start3A_39 = tpu.memref_squeeze %dma_start3A_38 : memref<1x128xi32, #tpu.memory_space<vmem>> -> memref<128xi32, #tpu.memory_space<vmem>>
      %dma_start3A_40 = arith.constant 0 : i32
      %dma_start3A_41 = arith.constant 0 : i32
      %dma_start3A_42 = tpu.memref_slice %arg2[%dma_start3A_40, %dma_start3A_41] : memref<10000x128xf32, #tpu.memory_space<hbm>> -> memref<10000x128xf32, #tpu.memory_space<hbm>>
      tpu.enqueue_indirect_dma source(%dma_start3A_42 : memref<10000x128xf32, #tpu.memory_space<hbm>>) target(%arg9 : memref<128x128xf32, #tpu.memory_space<vmem>>) offsets(%dma_start3A_39 : memref<128xi32, #tpu.memory_space<vmem>>) semaphore(%arg12 : memref<!tpu.dma_semaphore, #tpu.memory_space<semaphore_mem>>)
      %scan3A_43 = arith.constant 0 : i32
      %scan3A_44 = arith.constant 0 : i32
      %scan3A_45 = arith.constant 20 : i32
      %scan3A_46 = arith.addi %scan3A_44, %scan3A_45 : i32
      %scan3A_47 = arith.constant 1 : i32
      scf.for %scan3A_56 = %scan3A_44 to %scan3A_46 step %scan3A_47  : i32 {
        %mul3A_57 = arith.constant 2 : i32
        %mul3A_58 = arith.muli %mul3A_57, %scan3A_56 : i32
        %dma_wait3A_59 = arith.constant 0 : i32
        %dma_wait3A_60 = arith.constant 0 : i32
        %dma_wait3A_61 = tpu.memref_slice %arg7[%dma_wait3A_59, %dma_wait3A_60] : memref<40x128xi32, #tpu.memory_space<vmem>> -> memref<1x128xi32, #tpu.memory_space<vmem>>
        %dma_wait3A_62 = tpu.memref_squeeze %dma_wait3A_61 : memref<1x128xi32, #tpu.memory_space<vmem>> -> memref<128xi32, #tpu.memory_space<vmem>>
        %dma_wait3A_63 = arith.constant 0 : i32
        %dma_wait3A_64 = arith.constant 0 : i32
        %dma_wait3A_65 = tpu.memref_slice %arg2[%dma_wait3A_63, %dma_wait3A_64] : memref<10000x128xf32, #tpu.memory_space<hbm>> -> memref<10000x128xf32, #tpu.memory_space<hbm>>
        tpu.wait_indirect_dma semaphore(%arg12 : memref<!tpu.dma_semaphore, #tpu.memory_space<semaphore_mem>>) src(%dma_wait3A_65 : memref<10000x128xf32, #tpu.memory_space<hbm>>) dst(%arg9 : memref<128x128xf32, #tpu.memory_space<vmem>>)
        %gt3A = arith.constant 0 : i32
        %gt3A_66 = arith.cmpi sgt, %scan3A_56, %gt3A : i32
        %convert_element_type3A = arith.extui %gt3A_66 : i1 to i32
        %cond3A = arith.constant 0 : i32
        %cond3A_67 = arith.cmpi ne, %convert_element_type3A, %cond3A : i32
        scf.if %cond3A_67 {
          %dma_wait3A_108 = arith.constant 0 : i32
          %dma_wait3A_109 = arith.constant 0 : i32
          %dma_wait3A_110 = tpu.memref_slice %arg8[%dma_wait3A_108, %dma_wait3A_109] : memref<40x128xi32, #tpu.memory_space<vmem>> -> memref<1x128xi32, #tpu.memory_space<vmem>>
          %dma_wait3A_111 = tpu.memref_squeeze %dma_wait3A_110 : memref<1x128xi32, #tpu.memory_space<vmem>> -> memref<128xi32, #tpu.memory_space<vmem>>
          %dma_wait3A_112 = arith.constant 0 : i32
          %dma_wait3A_113 = arith.constant 0 : i32
          %dma_wait3A_114 = tpu.memref_slice %arg11[%dma_wait3A_112, %dma_wait3A_113] : memref<10240x128xf32, #tpu.memory_space<vmem_shared>> -> memref<10240x128xf32, #tpu.memory_space<vmem_shared>>
          tpu.wait_indirect_dma semaphore(%arg15 : memref<!tpu.dma_semaphore, #tpu.memory_space<semaphore_mem>>) src(%arg10 : memref<128x128xf32, #tpu.memory_space<vmem>>) dst(%dma_wait3A_114 : memref<10240x128xf32, #tpu.memory_space<vmem_shared>>)
        } else {
        }
        %add3A_68 = arith.constant 1 : i32
        %add3A_69 = arith.addi %mul3A_58, %add3A_68 : i32
        %dma_start3A_70 = arith.constant 0 : i32
        %dma_start3A_71 = tpu.memref_slice %arg7[%add3A_69, %dma_start3A_70] : memref<40x128xi32, #tpu.memory_space<vmem>> -> memref<1x128xi32, #tpu.memory_space<vmem>>
        %dma_start3A_72 = tpu.memref_squeeze %dma_start3A_71 : memref<1x128xi32, #tpu.memory_space<vmem>> -> memref<128xi32, #tpu.memory_space<vmem>>
        %dma_start3A_73 = arith.constant 0 : i32
        %dma_start3A_74 = arith.constant 0 : i32
        %dma_start3A_75 = tpu.memref_slice %arg2[%dma_start3A_73, %dma_start3A_74] : memref<10000x128xf32, #tpu.memory_space<hbm>> -> memref<10000x128xf32, #tpu.memory_space<hbm>>
        tpu.enqueue_indirect_dma source(%dma_start3A_75 : memref<10000x128xf32, #tpu.memory_space<hbm>>) target(%arg10 : memref<128x128xf32, #tpu.memory_space<vmem>>) offsets(%dma_start3A_72 : memref<128xi32, #tpu.memory_space<vmem>>) semaphore(%arg13 : memref<!tpu.dma_semaphore, #tpu.memory_space<semaphore_mem>>)
        %dma_start3A_76 = arith.constant 0 : i32
        %dma_start3A_77 = tpu.memref_slice %arg8[%mul3A_58, %dma_start3A_76] : memref<40x128xi32, #tpu.memory_space<vmem>> -> memref<1x128xi32, #tpu.memory_space<vmem>>
        %dma_start3A_78 = tpu.memref_squeeze %dma_start3A_77 : memref<1x128xi32, #tpu.memory_space<vmem>> -> memref<128xi32, #tpu.memory_space<vmem>>
        %dma_start3A_79 = arith.constant 0 : i32
        %dma_start3A_80 = arith.constant 0 : i32
        %dma_start3A_81 = tpu.memref_slice %arg11[%dma_start3A_79, %dma_start3A_80] : memref<10240x128xf32, #tpu.memory_space<vmem_shared>> -> memref<10240x128xf32, #tpu.memory_space<vmem_shared>>
        tpu.enqueue_indirect_dma source(%arg9 : memref<128x128xf32, #tpu.memory_space<vmem>>) target(%dma_start3A_81 : memref<10240x128xf32, #tpu.memory_space<vmem_shared>>) offsets(%dma_start3A_78 : memref<128xi32, #tpu.memory_space<vmem>>) semaphore(%arg14 : memref<!tpu.dma_semaphore, #tpu.memory_space<semaphore_mem>>) {add = true}
        %dma_wait3A_82 = arith.constant 0 : i32
        %dma_wait3A_83 = arith.constant 0 : i32
        %dma_wait3A_84 = tpu.memref_slice %arg7[%dma_wait3A_82, %dma_wait3A_83] : memref<40x128xi32, #tpu.memory_space<vmem>> -> memref<1x128xi32, #tpu.memory_space<vmem>>
        %dma_wait3A_85 = tpu.memref_squeeze %dma_wait3A_84 : memref<1x128xi32, #tpu.memory_space<vmem>> -> memref<128xi32, #tpu.memory_space<vmem>>
        %dma_wait3A_86 = arith.constant 0 : i32
        %dma_wait3A_87 = arith.constant 0 : i32
        %dma_wait3A_88 = tpu.memref_slice %arg2[%dma_wait3A_86, %dma_wait3A_87] : memref<10000x128xf32, #tpu.memory_space<hbm>> -> memref<10000x128xf32, #tpu.memory_space<hbm>>
        tpu.wait_indirect_dma semaphore(%arg13 : memref<!tpu.dma_semaphore, #tpu.memory_space<semaphore_mem>>) src(%dma_wait3A_88 : memref<10000x128xf32, #tpu.memory_space<hbm>>) dst(%arg10 : memref<128x128xf32, #tpu.memory_space<vmem>>)
        %dma_wait3A_89 = arith.constant 0 : i32
        %dma_wait3A_90 = arith.constant 0 : i32
        %dma_wait3A_91 = tpu.memref_slice %arg8[%dma_wait3A_89, %dma_wait3A_90] : memref<40x128xi32, #tpu.memory_space<vmem>> -> memref<1x128xi32, #tpu.memory_space<vmem>>
        %dma_wait3A_92 = tpu.memref_squeeze %dma_wait3A_91 : memref<1x128xi32, #tpu.memory_space<vmem>> -> memref<128xi32, #tpu.memory_space<vmem>>
        %dma_wait3A_93 = arith.constant 0 : i32
        %dma_wait3A_94 = arith.constant 0 : i32
        %dma_wait3A_95 = tpu.memref_slice %arg11[%dma_wait3A_93, %dma_wait3A_94] : memref<10240x128xf32, #tpu.memory_space<vmem_shared>> -> memref<10240x128xf32, #tpu.memory_space<vmem_shared>>
        tpu.wait_indirect_dma semaphore(%arg14 : memref<!tpu.dma_semaphore, #tpu.memory_space<semaphore_mem>>) src(%arg9 : memref<128x128xf32, #tpu.memory_space<vmem>>) dst(%dma_wait3A_95 : memref<10240x128xf32, #tpu.memory_space<vmem_shared>>)
        %lt3A = arith.constant 19 : i32
        %lt3A_96 = arith.cmpi slt, %scan3A_56, %lt3A : i32
        %convert_element_type3A_97 = arith.extui %lt3A_96 : i1 to i32
        %cond3A_98 = arith.constant 0 : i32
        %cond3A_99 = arith.cmpi ne, %convert_element_type3A_97, %cond3A_98 : i32
        scf.if %cond3A_99 {
          %add3A_108 = arith.constant 2 : i32
          %add3A_109 = arith.addi %mul3A_58, %add3A_108 : i32
          %dma_start3A_110 = arith.constant 0 : i32
          %dma_start3A_111 = tpu.memref_slice %arg7[%add3A_109, %dma_start3A_110] : memref<40x128xi32, #tpu.memory_space<vmem>> -> memref<1x128xi32, #tpu.memory_space<vmem>>
          %dma_start3A_112 = tpu.memref_squeeze %dma_start3A_111 : memref<1x128xi32, #tpu.memory_space<vmem>> -> memref<128xi32, #tpu.memory_space<vmem>>
          %dma_start3A_113 = arith.constant 0 : i32
          %dma_start3A_114 = arith.constant 0 : i32
          %dma_start3A_115 = tpu.memref_slice %arg2[%dma_start3A_113, %dma_start3A_114] : memref<10000x128xf32, #tpu.memory_space<hbm>> -> memref<10000x128xf32, #tpu.memory_space<hbm>>
          tpu.enqueue_indirect_dma source(%dma_start3A_115 : memref<10000x128xf32, #tpu.memory_space<hbm>>) target(%arg9 : memref<128x128xf32, #tpu.memory_space<vmem>>) offsets(%dma_start3A_112 : memref<128xi32, #tpu.memory_space<vmem>>) semaphore(%arg12 : memref<!tpu.dma_semaphore, #tpu.memory_space<semaphore_mem>>)
        } else {
        }
        %add3A_100 = arith.constant 1 : i32
        %add3A_101 = arith.addi %mul3A_58, %add3A_100 : i32
        %dma_start3A_102 = arith.constant 0 : i32
        %dma_start3A_103 = tpu.memref_slice %arg8[%add3A_101, %dma_start3A_102] : memref<40x128xi32, #tpu.memory_space<vmem>> -> memref<1x128xi32, #tpu.memory_space<vmem>>
        %dma_start3A_104 = tpu.memref_squeeze %dma_start3A_103 : memref<1x128xi32, #tpu.memory_space<vmem>> -> memref<128xi32, #tpu.memory_space<vmem>>
        %dma_start3A_105 = arith.constant 0 : i32
        %dma_start3A_106 = arith.constant 0 : i32
        %dma_start3A_107 = tpu.memref_slice %arg11[%dma_start3A_105, %dma_start3A_106] : memref<10240x128xf32, #tpu.memory_space<vmem_shared>> -> memref<10240x128xf32, #tpu.memory_space<vmem_shared>>
        tpu.enqueue_indirect_dma source(%arg10 : memref<128x128xf32, #tpu.memory_space<vmem>>) target(%dma_start3A_107 : memref<10240x128xf32, #tpu.memory_space<vmem_shared>>) offsets(%dma_start3A_104 : memref<128xi32, #tpu.memory_space<vmem>>) semaphore(%arg15 : memref<!tpu.dma_semaphore, #tpu.memory_space<semaphore_mem>>) {add = true}
      }
      %scan3A_48 = arith.constant 20 : i32
      %dma_wait3A_49 = arith.constant 0 : i32
      %dma_wait3A_50 = arith.constant 0 : i32
      %dma_wait3A_51 = tpu.memref_slice %arg8[%dma_wait3A_49, %dma_wait3A_50] : memref<40x128xi32, #tpu.memory_space<vmem>> -> memref<1x128xi32, #tpu.memory_space<vmem>>
      %dma_wait3A_52 = tpu.memref_squeeze %dma_wait3A_51 : memref<1x128xi32, #tpu.memory_space<vmem>> -> memref<128xi32, #tpu.memory_space<vmem>>
      %dma_wait3A_53 = arith.constant 0 : i32
      %dma_wait3A_54 = arith.constant 0 : i32
      %dma_wait3A_55 = tpu.memref_slice %arg11[%dma_wait3A_53, %dma_wait3A_54] : memref<10240x128xf32, #tpu.memory_space<vmem_shared>> -> memref<10240x128xf32, #tpu.memory_space<vmem_shared>>
      tpu.wait_indirect_dma semaphore(%arg15 : memref<!tpu.dma_semaphore, #tpu.memory_space<semaphore_mem>>) src(%arg10 : memref<128x128xf32, #tpu.memory_space<vmem>>) dst(%dma_wait3A_55 : memref<10240x128xf32, #tpu.memory_space<vmem_shared>>)
    }
    %scan3A_9 = arith.constant 2 : i32
    %barrier3A_10 = arith.constant 0 : index
    tpu.barrier barrier_id(%barrier3A_10)
    %mul3A_11 = arith.constant 640 : i32
    %mul3A_12 = arith.muli %arg1, %mul3A_11 : i32
    %mul3A_13 = arith.constant 640 : i32
    %mul3A_14 = arith.muli %arg1, %mul3A_13 : i32
    %dma_start3A_15 = arith.constant 0 : i32
    %dma_start3A_16 = tpu.memref_slice %arg6[%arg0, %mul3A_14, %dma_start3A_15] : memref<2x10240x128xf32, #tpu.memory_space<hbm>> -> memref<1x640x128xf32, #tpu.memory_space<hbm>>
    %dma_start3A_17 = tpu.memref_squeeze %dma_start3A_16 : memref<1x640x128xf32, #tpu.memory_space<hbm>> -> memref<640x128xf32, #tpu.memory_space<hbm>>
    %dma_start3A_18 = arith.constant 0 : i32
    %dma_start3A_19 = tpu.memref_slice %arg11[%mul3A_12, %dma_start3A_18] : memref<10240x128xf32, #tpu.memory_space<vmem_shared>> -> memref<640x128xf32, #tpu.memory_space<vmem_shared>>
    tpu.enqueue_dma source(%dma_start3A_19 : memref<640x128xf32, #tpu.memory_space<vmem_shared>>) target(%dma_start3A_17 : memref<640x128xf32, #tpu.memory_space<hbm>>) target_semaphore(%arg16 : memref<!tpu.dma_semaphore, #tpu.memory_space<semaphore_mem>>)
    %dma_wait3A_20 = arith.constant 0 : i32
    %dma_wait3A_21 = tpu.memref_slice %arg6[%arg0, %mul3A_14, %dma_wait3A_20] : memref<2x10240x128xf32, #tpu.memory_space<hbm>> -> memref<1x640x128xf32, #tpu.memory_space<hbm>>
    %dma_wait3A_22 = tpu.memref_squeeze %dma_wait3A_21 : memref<1x640x128xf32, #tpu.memory_space<hbm>> -> memref<640x128xf32, #tpu.memory_space<hbm>>
    %dma_wait3A_23 = arith.constant 0 : i32
    %dma_wait3A_24 = tpu.memref_slice %arg11[%mul3A_12, %dma_wait3A_23] : memref<10240x128xf32, #tpu.memory_space<vmem_shared>> -> memref<640x128xf32, #tpu.memory_space<vmem_shared>>
    tpu.wait_dma2 semaphore(%arg16 : memref<!tpu.dma_semaphore, #tpu.memory_space<semaphore_mem>>) src(%dma_wait3A_24 : memref<640x128xf32, #tpu.memory_space<vmem_shared>>) dst(%dma_wait3A_22 : memref<640x128xf32, #tpu.memory_space<hbm>>)
    return
  }
}

#map = affine_map<(d0, d1) -> (0, 0)>
#map1 = affine_map<(d0, d1) -> (0, 0, 0)>
module attributes {stable_mosaic.version = 14 : i64} {
  func.func @k(%arg0: i32, %arg1: i32, %arg2: memref<20000x128xf32, #tpu.memory_space<hbm>>, %arg3: memref<2x2560x128xi32, #tpu.memory_space<hbm>>, %arg4: memref<2560x128xi32, #tpu.memory_space<hbm>>, %arg5: memref<640x128xf32, #tpu.memory_space<hbm>>, %arg6: memref<2x10240x128xf32, #tpu.memory_space<hbm>>, %arg7: memref<40x128xi32, #tpu.memory_space<vmem>>, %arg8: memref<40x128xi32, #tpu.memory_space<vmem>>, %arg9: memref<128x128xf32, #tpu.memory_space<vmem>>, %arg10: memref<128x128xf32, #tpu.memory_space<vmem>>, %arg11: memref<10240x128xf32, #tpu.memory_space<vmem_shared>>, %arg12: memref<!tpu.dma_semaphore, #tpu.memory_space<semaphore_mem>>, %arg13: memref<!tpu.dma_semaphore, #tpu.memory_space<semaphore_mem>>, %arg14: memref<!tpu.dma_semaphore, #tpu.memory_space<semaphore_mem>>, %arg15: memref<!tpu.dma_semaphore, #tpu.memory_space<semaphore_mem>>, %arg16: memref<!tpu.dma_semaphore, #tpu.memory_space<semaphore_mem>>) attributes {dimension_semantics = [#tpu.dimension_semantics<core_parallel>, #tpu.dimension_semantics<subcore_parallel>], iteration_bounds = array<i64: 2, 16>, scalar_prefetch = 0 : i64, scratch_operands = 10 : i64, tpu.core_type = #tpu.core_type<sc_vector_subcore>, window_params = [{transform_indices = #map}, {transform_indices = #map1}, {transform_indices = #map}, {transform_indices = #map}, {transform_indices = #map1}]} {
    %mul3A = arith.constant 640 : i32
    %mul3A_0 = arith.muli %arg1, %mul3A : i32
    %dma_start3A = arith.constant 0 : i32
    %dma_start3A_1 = tpu.memref_slice %arg11[%mul3A_0, %dma_start3A] : memref<10240x128xf32, #tpu.memory_space<vmem_shared>> -> memref<640x128xf32, #tpu.memory_space<vmem_shared>>
    tpu.enqueue_dma source(%arg5 : memref<640x128xf32, #tpu.memory_space<hbm>>) target(%dma_start3A_1 : memref<640x128xf32, #tpu.memory_space<vmem_shared>>) target_semaphore(%arg16 : memref<!tpu.dma_semaphore, #tpu.memory_space<semaphore_mem>>)
    %dma_wait3A = arith.constant 0 : i32
    %dma_wait3A_2 = tpu.memref_slice %arg11[%mul3A_0, %dma_wait3A] : memref<10240x128xf32, #tpu.memory_space<vmem_shared>> -> memref<640x128xf32, #tpu.memory_space<vmem_shared>>
    tpu.wait_dma2 semaphore(%arg16 : memref<!tpu.dma_semaphore, #tpu.memory_space<semaphore_mem>>) src(%arg5 : memref<640x128xf32, #tpu.memory_space<hbm>>) dst(%dma_wait3A_2 : memref<640x128xf32, #tpu.memory_space<vmem_shared>>)
    %barrier3A = arith.constant 0 : index
    tpu.barrier barrier_id(%barrier3A)
    %scan3A = arith.constant 0 : i32
    %scan3A_3 = arith.constant 0 : i32
    %scan3A_4 = arith.constant 4 : i32
    %scan3A_5 = arith.addi %scan3A_3, %scan3A_4 : i32
    %scan3A_6 = arith.constant 1 : i32
    scf.for %scan3A_23 = %scan3A_3 to %scan3A_5 step %scan3A_6  : i32 {
      %mul3A_24 = arith.constant 160 : i32
      %mul3A_25 = arith.muli %arg1, %mul3A_24 : i32
      %mul3A_26 = arith.constant 40 : i32
      %mul3A_27 = arith.muli %scan3A_23, %mul3A_26 : i32
      %add3A = arith.addi %mul3A_25, %mul3A_27 : i32
      "tpu.region"() ({
        %run_scoped3A = tpu.sem_alloc : memref<!tpu.dma_semaphore, #tpu.memory_space<semaphore_mem>>
        %dma_start3A_53 = arith.constant 0 : i32
        %dma_start3A_54 = tpu.memref_slice %arg3[%arg0, %add3A, %dma_start3A_53] : memref<2x2560x128xi32, #tpu.memory_space<hbm>> -> memref<1x40x128xi32, #tpu.memory_space<hbm>>
        %dma_start3A_55 = tpu.memref_squeeze %dma_start3A_54 : memref<1x40x128xi32, #tpu.memory_space<hbm>> -> memref<40x128xi32, #tpu.memory_space<hbm>>
        %dma_start3A_56 = arith.constant 0 : i32
        %dma_start3A_57 = tpu.memref_slice %arg3[%arg0, %add3A, %dma_start3A_56] : memref<2x2560x128xi32, #tpu.memory_space<hbm>> -> memref<1x40x128xi32, #tpu.memory_space<hbm>>
        %dma_start3A_58 = tpu.memref_squeeze %dma_start3A_57 : memref<1x40x128xi32, #tpu.memory_space<hbm>> -> memref<40x128xi32, #tpu.memory_space<hbm>>
        tpu.enqueue_dma source(%dma_start3A_58 : memref<40x128xi32, #tpu.memory_space<hbm>>) target(%arg7 : memref<40x128xi32, #tpu.memory_space<vmem>>) target_semaphore(%run_scoped3A : memref<!tpu.dma_semaphore, #tpu.memory_space<semaphore_mem>>)
        %dma_wait3A_59 = arith.constant 0 : i32
        %dma_wait3A_60 = tpu.memref_slice %arg3[%arg0, %add3A, %dma_wait3A_59] : memref<2x2560x128xi32, #tpu.memory_space<hbm>> -> memref<1x40x128xi32, #tpu.memory_space<hbm>>
        %dma_wait3A_61 = tpu.memref_squeeze %dma_wait3A_60 : memref<1x40x128xi32, #tpu.memory_space<hbm>> -> memref<40x128xi32, #tpu.memory_space<hbm>>
        %dma_wait3A_62 = arith.constant 0 : i32
        %dma_wait3A_63 = tpu.memref_slice %arg3[%arg0, %add3A, %dma_wait3A_62] : memref<2x2560x128xi32, #tpu.memory_space<hbm>> -> memref<1x40x128xi32, #tpu.memory_space<hbm>>
        %dma_wait3A_64 = tpu.memref_squeeze %dma_wait3A_63 : memref<1x40x128xi32, #tpu.memory_space<hbm>> -> memref<40x128xi32, #tpu.memory_space<hbm>>
        tpu.wait_dma2 semaphore(%run_scoped3A : memref<!tpu.dma_semaphore, #tpu.memory_space<semaphore_mem>>) src(%dma_wait3A_64 : memref<40x128xi32, #tpu.memory_space<hbm>>) dst(%arg7 : memref<40x128xi32, #tpu.memory_space<vmem>>)
        tpu.yield
      }) : () -> ()
      %mul3A_28 = arith.constant 160 : i32
      %mul3A_29 = arith.muli %arg1, %mul3A_28 : i32
      %mul3A_30 = arith.constant 40 : i32
      %mul3A_31 = arith.muli %scan3A_23, %mul3A_30 : i32
      %add3A_32 = arith.addi %mul3A_29, %mul3A_31 : i32
      "tpu.region"() ({
        %run_scoped3A = tpu.sem_alloc : memref<!tpu.dma_semaphore, #tpu.memory_space<semaphore_mem>>
        %dma_start3A_53 = arith.constant 0 : i32
        %dma_start3A_54 = tpu.memref_slice %arg4[%add3A_32, %dma_start3A_53] : memref<2560x128xi32, #tpu.memory_space<hbm>> -> memref<40x128xi32, #tpu.memory_space<hbm>>
        %dma_start3A_55 = arith.constant 0 : i32
        %dma_start3A_56 = tpu.memref_slice %arg4[%add3A_32, %dma_start3A_55] : memref<2560x128xi32, #tpu.memory_space<hbm>> -> memref<40x128xi32, #tpu.memory_space<hbm>>
        tpu.enqueue_dma source(%dma_start3A_56 : memref<40x128xi32, #tpu.memory_space<hbm>>) target(%arg8 : memref<40x128xi32, #tpu.memory_space<vmem>>) target_semaphore(%run_scoped3A : memref<!tpu.dma_semaphore, #tpu.memory_space<semaphore_mem>>)
        %dma_wait3A_57 = arith.constant 0 : i32
        %dma_wait3A_58 = tpu.memref_slice %arg4[%add3A_32, %dma_wait3A_57] : memref<2560x128xi32, #tpu.memory_space<hbm>> -> memref<40x128xi32, #tpu.memory_space<hbm>>
        %dma_wait3A_59 = arith.constant 0 : i32
        %dma_wait3A_60 = tpu.memref_slice %arg4[%add3A_32, %dma_wait3A_59] : memref<2560x128xi32, #tpu.memory_space<hbm>> -> memref<40x128xi32, #tpu.memory_space<hbm>>
        tpu.wait_dma2 semaphore(%run_scoped3A : memref<!tpu.dma_semaphore, #tpu.memory_space<semaphore_mem>>) src(%dma_wait3A_60 : memref<40x128xi32, #tpu.memory_space<hbm>>) dst(%arg8 : memref<40x128xi32, #tpu.memory_space<vmem>>)
        tpu.yield
      }) : () -> ()
      %dma_start3A_33 = arith.constant 0 : i32
      %dma_start3A_34 = arith.constant 0 : i32
      %dma_start3A_35 = tpu.memref_slice %arg7[%dma_start3A_33, %dma_start3A_34] : memref<40x128xi32, #tpu.memory_space<vmem>> -> memref<1x128xi32, #tpu.memory_space<vmem>>
      %dma_start3A_36 = tpu.memref_squeeze %dma_start3A_35 : memref<1x128xi32, #tpu.memory_space<vmem>> -> memref<128xi32, #tpu.memory_space<vmem>>
      %dma_start3A_37 = arith.constant 0 : i32
      %dma_start3A_38 = arith.constant 0 : i32
      %dma_start3A_39 = tpu.memref_slice %arg2[%dma_start3A_37, %dma_start3A_38] : memref<20000x128xf32, #tpu.memory_space<hbm>> -> memref<20000x128xf32, #tpu.memory_space<hbm>>
      tpu.enqueue_indirect_dma source(%dma_start3A_39 : memref<20000x128xf32, #tpu.memory_space<hbm>>) target(%arg9 : memref<128x128xf32, #tpu.memory_space<vmem>>) offsets(%dma_start3A_36 : memref<128xi32, #tpu.memory_space<vmem>>) semaphore(%arg12 : memref<!tpu.dma_semaphore, #tpu.memory_space<semaphore_mem>>)
      %scan3A_40 = arith.constant 0 : i32
      %scan3A_41 = arith.constant 0 : i32
      %scan3A_42 = arith.constant 20 : i32
      %scan3A_43 = arith.addi %scan3A_41, %scan3A_42 : i32
      %scan3A_44 = arith.constant 1 : i32
      scf.for %scan3A_53 = %scan3A_41 to %scan3A_43 step %scan3A_44  : i32 {
        %mul3A_54 = arith.constant 2 : i32
        %mul3A_55 = arith.muli %mul3A_54, %scan3A_53 : i32
        %dma_wait3A_56 = arith.constant 0 : i32
        %dma_wait3A_57 = arith.constant 0 : i32
        %dma_wait3A_58 = tpu.memref_slice %arg7[%dma_wait3A_56, %dma_wait3A_57] : memref<40x128xi32, #tpu.memory_space<vmem>> -> memref<1x128xi32, #tpu.memory_space<vmem>>
        %dma_wait3A_59 = tpu.memref_squeeze %dma_wait3A_58 : memref<1x128xi32, #tpu.memory_space<vmem>> -> memref<128xi32, #tpu.memory_space<vmem>>
        %dma_wait3A_60 = arith.constant 0 : i32
        %dma_wait3A_61 = arith.constant 0 : i32
        %dma_wait3A_62 = tpu.memref_slice %arg2[%dma_wait3A_60, %dma_wait3A_61] : memref<20000x128xf32, #tpu.memory_space<hbm>> -> memref<20000x128xf32, #tpu.memory_space<hbm>>
        tpu.wait_indirect_dma semaphore(%arg12 : memref<!tpu.dma_semaphore, #tpu.memory_space<semaphore_mem>>) src(%dma_wait3A_62 : memref<20000x128xf32, #tpu.memory_space<hbm>>) dst(%arg9 : memref<128x128xf32, #tpu.memory_space<vmem>>)
        %gt3A = arith.constant 0 : i32
        %gt3A_63 = arith.cmpi sgt, %scan3A_53, %gt3A : i32
        %convert_element_type3A = arith.extui %gt3A_63 : i1 to i32
        %cond3A = arith.constant 0 : i32
        %cond3A_64 = arith.cmpi ne, %convert_element_type3A, %cond3A : i32
        scf.if %cond3A_64 {
          %dma_wait3A_105 = arith.constant 0 : i32
          %dma_wait3A_106 = arith.constant 0 : i32
          %dma_wait3A_107 = tpu.memref_slice %arg8[%dma_wait3A_105, %dma_wait3A_106] : memref<40x128xi32, #tpu.memory_space<vmem>> -> memref<1x128xi32, #tpu.memory_space<vmem>>
          %dma_wait3A_108 = tpu.memref_squeeze %dma_wait3A_107 : memref<1x128xi32, #tpu.memory_space<vmem>> -> memref<128xi32, #tpu.memory_space<vmem>>
          %dma_wait3A_109 = arith.constant 0 : i32
          %dma_wait3A_110 = arith.constant 0 : i32
          %dma_wait3A_111 = tpu.memref_slice %arg11[%dma_wait3A_109, %dma_wait3A_110] : memref<10240x128xf32, #tpu.memory_space<vmem_shared>> -> memref<10240x128xf32, #tpu.memory_space<vmem_shared>>
          tpu.wait_indirect_dma semaphore(%arg15 : memref<!tpu.dma_semaphore, #tpu.memory_space<semaphore_mem>>) src(%arg10 : memref<128x128xf32, #tpu.memory_space<vmem>>) dst(%dma_wait3A_111 : memref<10240x128xf32, #tpu.memory_space<vmem_shared>>)
        } else {
        }
        %add3A_65 = arith.constant 1 : i32
        %add3A_66 = arith.addi %mul3A_55, %add3A_65 : i32
        %dma_start3A_67 = arith.constant 0 : i32
        %dma_start3A_68 = tpu.memref_slice %arg7[%add3A_66, %dma_start3A_67] : memref<40x128xi32, #tpu.memory_space<vmem>> -> memref<1x128xi32, #tpu.memory_space<vmem>>
        %dma_start3A_69 = tpu.memref_squeeze %dma_start3A_68 : memref<1x128xi32, #tpu.memory_space<vmem>> -> memref<128xi32, #tpu.memory_space<vmem>>
        %dma_start3A_70 = arith.constant 0 : i32
        %dma_start3A_71 = arith.constant 0 : i32
        %dma_start3A_72 = tpu.memref_slice %arg2[%dma_start3A_70, %dma_start3A_71] : memref<20000x128xf32, #tpu.memory_space<hbm>> -> memref<20000x128xf32, #tpu.memory_space<hbm>>
        tpu.enqueue_indirect_dma source(%dma_start3A_72 : memref<20000x128xf32, #tpu.memory_space<hbm>>) target(%arg10 : memref<128x128xf32, #tpu.memory_space<vmem>>) offsets(%dma_start3A_69 : memref<128xi32, #tpu.memory_space<vmem>>) semaphore(%arg13 : memref<!tpu.dma_semaphore, #tpu.memory_space<semaphore_mem>>)
        %dma_start3A_73 = arith.constant 0 : i32
        %dma_start3A_74 = tpu.memref_slice %arg8[%mul3A_55, %dma_start3A_73] : memref<40x128xi32, #tpu.memory_space<vmem>> -> memref<1x128xi32, #tpu.memory_space<vmem>>
        %dma_start3A_75 = tpu.memref_squeeze %dma_start3A_74 : memref<1x128xi32, #tpu.memory_space<vmem>> -> memref<128xi32, #tpu.memory_space<vmem>>
        %dma_start3A_76 = arith.constant 0 : i32
        %dma_start3A_77 = arith.constant 0 : i32
        %dma_start3A_78 = tpu.memref_slice %arg11[%dma_start3A_76, %dma_start3A_77] : memref<10240x128xf32, #tpu.memory_space<vmem_shared>> -> memref<10240x128xf32, #tpu.memory_space<vmem_shared>>
        tpu.enqueue_indirect_dma source(%arg9 : memref<128x128xf32, #tpu.memory_space<vmem>>) target(%dma_start3A_78 : memref<10240x128xf32, #tpu.memory_space<vmem_shared>>) offsets(%dma_start3A_75 : memref<128xi32, #tpu.memory_space<vmem>>) semaphore(%arg14 : memref<!tpu.dma_semaphore, #tpu.memory_space<semaphore_mem>>) {add = true}
        %dma_wait3A_79 = arith.constant 0 : i32
        %dma_wait3A_80 = arith.constant 0 : i32
        %dma_wait3A_81 = tpu.memref_slice %arg7[%dma_wait3A_79, %dma_wait3A_80] : memref<40x128xi32, #tpu.memory_space<vmem>> -> memref<1x128xi32, #tpu.memory_space<vmem>>
        %dma_wait3A_82 = tpu.memref_squeeze %dma_wait3A_81 : memref<1x128xi32, #tpu.memory_space<vmem>> -> memref<128xi32, #tpu.memory_space<vmem>>
        %dma_wait3A_83 = arith.constant 0 : i32
        %dma_wait3A_84 = arith.constant 0 : i32
        %dma_wait3A_85 = tpu.memref_slice %arg2[%dma_wait3A_83, %dma_wait3A_84] : memref<20000x128xf32, #tpu.memory_space<hbm>> -> memref<20000x128xf32, #tpu.memory_space<hbm>>
        tpu.wait_indirect_dma semaphore(%arg13 : memref<!tpu.dma_semaphore, #tpu.memory_space<semaphore_mem>>) src(%dma_wait3A_85 : memref<20000x128xf32, #tpu.memory_space<hbm>>) dst(%arg10 : memref<128x128xf32, #tpu.memory_space<vmem>>)
        %dma_wait3A_86 = arith.constant 0 : i32
        %dma_wait3A_87 = arith.constant 0 : i32
        %dma_wait3A_88 = tpu.memref_slice %arg8[%dma_wait3A_86, %dma_wait3A_87] : memref<40x128xi32, #tpu.memory_space<vmem>> -> memref<1x128xi32, #tpu.memory_space<vmem>>
        %dma_wait3A_89 = tpu.memref_squeeze %dma_wait3A_88 : memref<1x128xi32, #tpu.memory_space<vmem>> -> memref<128xi32, #tpu.memory_space<vmem>>
        %dma_wait3A_90 = arith.constant 0 : i32
        %dma_wait3A_91 = arith.constant 0 : i32
        %dma_wait3A_92 = tpu.memref_slice %arg11[%dma_wait3A_90, %dma_wait3A_91] : memref<10240x128xf32, #tpu.memory_space<vmem_shared>> -> memref<10240x128xf32, #tpu.memory_space<vmem_shared>>
        tpu.wait_indirect_dma semaphore(%arg14 : memref<!tpu.dma_semaphore, #tpu.memory_space<semaphore_mem>>) src(%arg9 : memref<128x128xf32, #tpu.memory_space<vmem>>) dst(%dma_wait3A_92 : memref<10240x128xf32, #tpu.memory_space<vmem_shared>>)
        %lt3A = arith.constant 19 : i32
        %lt3A_93 = arith.cmpi slt, %scan3A_53, %lt3A : i32
        %convert_element_type3A_94 = arith.extui %lt3A_93 : i1 to i32
        %cond3A_95 = arith.constant 0 : i32
        %cond3A_96 = arith.cmpi ne, %convert_element_type3A_94, %cond3A_95 : i32
        scf.if %cond3A_96 {
          %add3A_105 = arith.constant 2 : i32
          %add3A_106 = arith.addi %mul3A_55, %add3A_105 : i32
          %dma_start3A_107 = arith.constant 0 : i32
          %dma_start3A_108 = tpu.memref_slice %arg7[%add3A_106, %dma_start3A_107] : memref<40x128xi32, #tpu.memory_space<vmem>> -> memref<1x128xi32, #tpu.memory_space<vmem>>
          %dma_start3A_109 = tpu.memref_squeeze %dma_start3A_108 : memref<1x128xi32, #tpu.memory_space<vmem>> -> memref<128xi32, #tpu.memory_space<vmem>>
          %dma_start3A_110 = arith.constant 0 : i32
          %dma_start3A_111 = arith.constant 0 : i32
          %dma_start3A_112 = tpu.memref_slice %arg2[%dma_start3A_110, %dma_start3A_111] : memref<20000x128xf32, #tpu.memory_space<hbm>> -> memref<20000x128xf32, #tpu.memory_space<hbm>>
          tpu.enqueue_indirect_dma source(%dma_start3A_112 : memref<20000x128xf32, #tpu.memory_space<hbm>>) target(%arg9 : memref<128x128xf32, #tpu.memory_space<vmem>>) offsets(%dma_start3A_109 : memref<128xi32, #tpu.memory_space<vmem>>) semaphore(%arg12 : memref<!tpu.dma_semaphore, #tpu.memory_space<semaphore_mem>>)
        } else {
        }
        %add3A_97 = arith.constant 1 : i32
        %add3A_98 = arith.addi %mul3A_55, %add3A_97 : i32
        %dma_start3A_99 = arith.constant 0 : i32
        %dma_start3A_100 = tpu.memref_slice %arg8[%add3A_98, %dma_start3A_99] : memref<40x128xi32, #tpu.memory_space<vmem>> -> memref<1x128xi32, #tpu.memory_space<vmem>>
        %dma_start3A_101 = tpu.memref_squeeze %dma_start3A_100 : memref<1x128xi32, #tpu.memory_space<vmem>> -> memref<128xi32, #tpu.memory_space<vmem>>
        %dma_start3A_102 = arith.constant 0 : i32
        %dma_start3A_103 = arith.constant 0 : i32
        %dma_start3A_104 = tpu.memref_slice %arg11[%dma_start3A_102, %dma_start3A_103] : memref<10240x128xf32, #tpu.memory_space<vmem_shared>> -> memref<10240x128xf32, #tpu.memory_space<vmem_shared>>
        tpu.enqueue_indirect_dma source(%arg10 : memref<128x128xf32, #tpu.memory_space<vmem>>) target(%dma_start3A_104 : memref<10240x128xf32, #tpu.memory_space<vmem_shared>>) offsets(%dma_start3A_101 : memref<128xi32, #tpu.memory_space<vmem>>) semaphore(%arg15 : memref<!tpu.dma_semaphore, #tpu.memory_space<semaphore_mem>>) {add = true}
      }
      %scan3A_45 = arith.constant 20 : i32
      %dma_wait3A_46 = arith.constant 0 : i32
      %dma_wait3A_47 = arith.constant 0 : i32
      %dma_wait3A_48 = tpu.memref_slice %arg8[%dma_wait3A_46, %dma_wait3A_47] : memref<40x128xi32, #tpu.memory_space<vmem>> -> memref<1x128xi32, #tpu.memory_space<vmem>>
      %dma_wait3A_49 = tpu.memref_squeeze %dma_wait3A_48 : memref<1x128xi32, #tpu.memory_space<vmem>> -> memref<128xi32, #tpu.memory_space<vmem>>
      %dma_wait3A_50 = arith.constant 0 : i32
      %dma_wait3A_51 = arith.constant 0 : i32
      %dma_wait3A_52 = tpu.memref_slice %arg11[%dma_wait3A_50, %dma_wait3A_51] : memref<10240x128xf32, #tpu.memory_space<vmem_shared>> -> memref<10240x128xf32, #tpu.memory_space<vmem_shared>>
      tpu.wait_indirect_dma semaphore(%arg15 : memref<!tpu.dma_semaphore, #tpu.memory_space<semaphore_mem>>) src(%arg10 : memref<128x128xf32, #tpu.memory_space<vmem>>) dst(%dma_wait3A_52 : memref<10240x128xf32, #tpu.memory_space<vmem_shared>>)
    }
    %scan3A_7 = arith.constant 4 : i32
    %barrier3A_8 = arith.constant 0 : index
    tpu.barrier barrier_id(%barrier3A_8)
    %mul3A_9 = arith.constant 640 : i32
    %mul3A_10 = arith.muli %arg1, %mul3A_9 : i32
    %mul3A_11 = arith.constant 640 : i32
    %mul3A_12 = arith.muli %arg1, %mul3A_11 : i32
    %dma_start3A_13 = arith.constant 0 : i32
    %dma_start3A_14 = tpu.memref_slice %arg6[%arg0, %mul3A_12, %dma_start3A_13] : memref<2x10240x128xf32, #tpu.memory_space<hbm>> -> memref<1x640x128xf32, #tpu.memory_space<hbm>>
    %dma_start3A_15 = tpu.memref_squeeze %dma_start3A_14 : memref<1x640x128xf32, #tpu.memory_space<hbm>> -> memref<640x128xf32, #tpu.memory_space<hbm>>
    %dma_start3A_16 = arith.constant 0 : i32
    %dma_start3A_17 = tpu.memref_slice %arg11[%mul3A_10, %dma_start3A_16] : memref<10240x128xf32, #tpu.memory_space<vmem_shared>> -> memref<640x128xf32, #tpu.memory_space<vmem_shared>>
    tpu.enqueue_dma source(%dma_start3A_17 : memref<640x128xf32, #tpu.memory_space<vmem_shared>>) target(%dma_start3A_15 : memref<640x128xf32, #tpu.memory_space<hbm>>) target_semaphore(%arg16 : memref<!tpu.dma_semaphore, #tpu.memory_space<semaphore_mem>>)
    %dma_wait3A_18 = arith.constant 0 : i32
    %dma_wait3A_19 = tpu.memref_slice %arg6[%arg0, %mul3A_12, %dma_wait3A_18] : memref<2x10240x128xf32, #tpu.memory_space<hbm>> -> memref<1x640x128xf32, #tpu.memory_space<hbm>>
    %dma_wait3A_20 = tpu.memref_squeeze %dma_wait3A_19 : memref<1x640x128xf32, #tpu.memory_space<hbm>> -> memref<640x128xf32, #tpu.memory_space<hbm>>
    %dma_wait3A_21 = arith.constant 0 : i32
    %dma_wait3A_22 = tpu.memref_slice %arg11[%mul3A_10, %dma_wait3A_21] : memref<10240x128xf32, #tpu.memory_space<vmem_shared>> -> memref<640x128xf32, #tpu.memory_space<vmem_shared>>
    tpu.wait_dma2 semaphore(%arg16 : memref<!tpu.dma_semaphore, #tpu.memory_space<semaphore_mem>>) src(%dma_wait3A_22 : memref<640x128xf32, #tpu.memory_space<vmem_shared>>) dst(%dma_wait3A_20 : memref<640x128xf32, #tpu.memory_space<hbm>>)
    return
  }
}

module attributes {stable_mosaic.version = 14 : i64} {
  func.func @body(%arg0: i32, %arg1: memref<5000x32xf32, #tpu.memory_space<vmem>>, %arg2: memref<5000x128xf32, #tpu.memory_space<vmem>>, %arg3: memref<5000x128xf32, #tpu.memory_space<vmem>>, %arg4: memref<5000x128xf32, #tpu.memory_space<vmem>>) attributes {dimension_semantics = [#tpu.dimension_semantics<arbitrary>], iteration_bounds = array<i64: 2>, scalar_prefetch = 0 : i64, scratch_operands = 0 : i64, tpu.core_type = #tpu.core_type<tc>, window_params = [{transform_indices = @transform_0, window_bounds = array<i64: 5000, 32>}, {transform_indices = @transform_1, window_bounds = array<i64: 5000, 128>}, {transform_indices = @transform_2, window_bounds = array<i64: 5000, 128>}, {transform_indices = @transform_3, window_bounds = array<i64: 5000, 128>}]} {
    %get3A = arith.constant 0 : index
    %get3A_0 = arith.constant 0 : index
    %get3A_1 = vector.load %arg1[%get3A, %get3A_0] : memref<5000x32xf32, #tpu.memory_space<vmem>>, vector<5000x32xf32>
    %reduce_sum3A = arith.constant dense<0.000000e+00> : vector<5000xf32>
    %reduce_sum3A_2 = vector.multi_reduction <add>, %get3A_1, %reduce_sum3A [1] : vector<5000x32xf32> to vector<5000xf32>
    %broadcast_in_dim3A = vector.shape_cast %reduce_sum3A_2 : vector<5000xf32> to vector<5000x1xf32>
    %add3A = arith.constant 1.000000e+00 : f32
    %add3A_3 = vector.broadcast %add3A : f32 to vector<5000x1xf32>
    %add3A_4 = arith.addf %broadcast_in_dim3A, %add3A_3 : vector<5000x1xf32>
    %rsqrt3A = math.rsqrt %add3A_4 : vector<5000x1xf32>
    %get3A_5 = arith.constant 0 : index
    %get3A_6 = arith.constant 0 : index
    %get3A_7 = vector.load %arg2[%get3A_5, %get3A_6] : memref<5000x128xf32, #tpu.memory_space<vmem>>, vector<5000x128xf32>
    %mul3A = vector.broadcast %rsqrt3A : vector<5000x1xf32> to vector<5000x128xf32>
    %mul3A_8 = arith.mulf %get3A_7, %mul3A : vector<5000x128xf32>
    %swap3A = arith.constant 0 : index
    %swap3A_9 = arith.constant 0 : index
    %swap3A_10 = vector.load %arg3[%swap3A, %swap3A_9] : memref<5000x128xf32, #tpu.memory_space<vmem>>, vector<5000x128xf32>
    tpu.vector_store %arg3[%swap3A, %swap3A_9], %mul3A_8 {strides = array<i32>} : memref<5000x128xf32, #tpu.memory_space<vmem>>, vector<5000x128xf32>,
    %broadcast_in_dim3A_11 = vector.shape_cast %rsqrt3A : vector<5000x1xf32> to vector<5000x1xf32>
    %broadcast_in_dim3A_12 = vector.broadcast %broadcast_in_dim3A_11 : vector<5000x1xf32> to vector<5000x128xf32>
    %swap3A_13 = arith.constant 0 : index
    %swap3A_14 = arith.constant 0 : index
    %swap3A_15 = vector.load %arg4[%swap3A_13, %swap3A_14] : memref<5000x128xf32, #tpu.memory_space<vmem>>, vector<5000x128xf32>
    tpu.vector_store %arg4[%swap3A_13, %swap3A_14], %broadcast_in_dim3A_12 {strides = array<i32>} : memref<5000x128xf32, #tpu.memory_space<vmem>>, vector<5000x128xf32>,
    return
  }
  func.func @transform_0(%arg0: i32) -> (i32, i32) {
    %c0_i32 = arith.constant 0 : i32
    %c0_i32_0 = arith.constant 0 : i32
    return %arg0, %c0_i32 : i32, i32
  }
  func.func @transform_1(%arg0: i32) -> (i32, i32) {
    %c0_i32 = arith.constant 0 : i32
    %c0_i32_0 = arith.constant 0 : i32
    return %arg0, %c0_i32 : i32, i32
  }
  func.func @transform_2(%arg0: i32) -> (i32, i32) {
    %c0_i32 = arith.constant 0 : i32
    %c0_i32_0 = arith.constant 0 : i32
    return %arg0, %c0_i32 : i32, i32
  }
  func.func @transform_3(%arg0: i32) -> (i32, i32) {
    %c0_i32 = arith.constant 0 : i32
    %c0_i32_0 = arith.constant 0 : i32
    return %arg0, %c0_i32 : i32, i32
  }
}

module attributes {stable_mosaic.version = 14 : i64} {
  func.func @body(%arg0: i32, %arg1: memref<1x5000x128xf32, #tpu.memory_space<vmem>>, %arg2: memref<1x5000x128xf32, #tpu.memory_space<vmem>>, %arg3: memref<5000x128xf32, #tpu.memory_space<vmem>>, %arg4: memref<5000x128xf32, #tpu.memory_space<vmem>>, %arg5: memref<128x256xf32, #tpu.memory_space<vmem>>, %arg6: memref<1x256xf32, #tpu.memory_space<vmem>>, %arg7: memref<5000x256xf32, #tpu.memory_space<vmem>>, %arg8: memref<5000x256xf32, #tpu.memory_space<vmem>>) attributes {dimension_semantics = [#tpu.dimension_semantics<arbitrary>], iteration_bounds = array<i64: 2>, scalar_prefetch = 0 : i64, scratch_operands = 0 : i64, tpu.core_type = #tpu.core_type<tc>, window_params = [{transform_indices = @transform_0, window_bounds = array<i64: 1, 5000, 128>}, {transform_indices = @transform_1, window_bounds = array<i64: 1, 5000, 128>}, {transform_indices = @transform_2, window_bounds = array<i64: 5000, 128>}, {transform_indices = @transform_3, window_bounds = array<i64: 5000, 128>}, {pipeline_mode = #tpu.pipeline_mode<synchronous>, transform_indices = @transform_4, window_bounds = array<i64: 128, 256>}, {pipeline_mode = #tpu.pipeline_mode<synchronous>, transform_indices = @transform_5, window_bounds = array<i64: 1, 256>}, {transform_indices = @transform_6, window_bounds = array<i64: 5000, 256>}, {transform_indices = @transform_7, window_bounds = array<i64: 5000, 256>}]} {
    %get3A = arith.constant 0 : index
    %get3A_0 = arith.constant 0 : index
    %get3A_1 = vector.load %arg4[%get3A, %get3A_0] : memref<5000x128xf32, #tpu.memory_space<vmem>>, vector<5000x128xf32>
    %get3A_2 = arith.constant 0 : index
    %get3A_3 = arith.constant 0 : index
    %get3A_4 = arith.constant 0 : index
    %get3A_5 = vector.load %arg1[%get3A_2, %get3A_3, %get3A_4] : memref<1x5000x128xf32, #tpu.memory_space<vmem>>, vector<1x5000x128xf32>
    %get3A_6 = vector.shape_cast %get3A_5 : vector<1x5000x128xf32> to vector<5000x128xf32>
    %get3A_7 = arith.constant 0 : index
    %get3A_8 = arith.constant 0 : index
    %get3A_9 = arith.constant 0 : index
    %get3A_10 = vector.load %arg2[%get3A_7, %get3A_8, %get3A_9] : memref<1x5000x128xf32, #tpu.memory_space<vmem>>, vector<1x5000x128xf32>
    %get3A_11 = vector.shape_cast %get3A_10 : vector<1x5000x128xf32> to vector<5000x128xf32>
    %add3A = arith.addf %get3A_6, %get3A_11 : vector<5000x128xf32>
    %mul3A = arith.mulf %get3A_1, %add3A : vector<5000x128xf32>
    %mul3A_12 = arith.mulf %get3A_1, %get3A_1 : vector<5000x128xf32>
    %get3A_13 = arith.constant 0 : index
    %get3A_14 = arith.constant 0 : index
    %get3A_15 = vector.load %arg3[%get3A_13, %get3A_14] : memref<5000x128xf32, #tpu.memory_space<vmem>>, vector<5000x128xf32>
    %mul3A_16 = arith.mulf %mul3A_12, %get3A_15 : vector<5000x128xf32>
    %add3A_17 = arith.addf %mul3A, %mul3A_16 : vector<5000x128xf32>
    %get3A_18 = arith.constant 0 : index
    %get3A_19 = arith.constant 0 : index
    %get3A_20 = vector.load %arg5[%get3A_18, %get3A_19] : memref<128x256xf32, #tpu.memory_space<vmem>>, vector<128x256xf32>
    %dot_general3A = arith.constant dense<0.000000e+00> : vector<5000x256xf32>
    %dot_general3A_21 = tpu.matmul %add3A_17, %get3A_20, %dot_general3A {dimension_numbers = #tpu.dot_dimension_numbers<[1], [0], [0], [1], [0, 0, 1, 1], [], []>, transpose_lhs_hint = false} : vector<5000x128xf32>, vector<128x256xf32>, vector<5000x256xf32> -> vector<5000x256xf32>
    %get3A_22 = arith.constant 0 : index
    %get3A_23 = arith.constant 0 : index
    %get3A_24 = vector.load %arg6[%get3A_22, %get3A_23] : memref<1x256xf32, #tpu.memory_space<vmem>>, vector<1x256xf32>
    %add3A_25 = vector.broadcast %get3A_24 : vector<1x256xf32> to vector<5000x256xf32>
    %add3A_26 = arith.addf %dot_general3A_21, %add3A_25 : vector<5000x256xf32>
    %swap3A = arith.constant 0 : index
    %swap3A_27 = arith.constant 0 : index
    %swap3A_28 = vector.load %arg7[%swap3A, %swap3A_27] : memref<5000x256xf32, #tpu.memory_space<vmem>>, vector<5000x256xf32>
    tpu.vector_store %arg7[%swap3A, %swap3A_27], %add3A_26 {strides = array<i32>} : memref<5000x256xf32, #tpu.memory_space<vmem>>, vector<5000x256xf32>,
    %concatenate3A = tpu.concatenate %get3A_1, %get3A_1 in 1 : vector<5000x128xf32>, vector<5000x128xf32> -> vector<5000x256xf32>
    %mul3A_29 = arith.mulf %concatenate3A, %add3A_26 : vector<5000x256xf32>
    %swap3A_30 = arith.constant 0 : index
    %swap3A_31 = arith.constant 0 : index
    %swap3A_32 = vector.load %arg8[%swap3A_30, %swap3A_31] : memref<5000x256xf32, #tpu.memory_space<vmem>>, vector<5000x256xf32>
    tpu.vector_store %arg8[%swap3A_30, %swap3A_31], %mul3A_29 {strides = array<i32>} : memref<5000x256xf32, #tpu.memory_space<vmem>>, vector<5000x256xf32>,
    return
  }
  func.func @transform_0(%arg0: i32) -> (i32, i32, i32) {
    %c0_i32 = arith.constant 0 : i32
    %c0_i32_0 = arith.constant 0 : i32
    %c0_i32_1 = arith.constant 0 : i32
    return %c0_i32, %arg0, %c0_i32_0 : i32, i32, i32
  }
  func.func @transform_1(%arg0: i32) -> (i32, i32, i32) {
    %c1_i32 = arith.constant 1 : i32
    %c0_i32 = arith.constant 0 : i32
    %c0_i32_0 = arith.constant 0 : i32
    return %c1_i32, %arg0, %c0_i32 : i32, i32, i32
  }
  func.func @transform_2(%arg0: i32) -> (i32, i32) {
    %c0_i32 = arith.constant 0 : i32
    %c0_i32_0 = arith.constant 0 : i32
    return %arg0, %c0_i32 : i32, i32
  }
  func.func @transform_3(%arg0: i32) -> (i32, i32) {
    %c0_i32 = arith.constant 0 : i32
    %c0_i32_0 = arith.constant 0 : i32
    return %arg0, %c0_i32 : i32, i32
  }
  func.func @transform_4(%arg0: i32) -> (i32, i32) {
    %c0_i32 = arith.constant 0 : i32
    %c0_i32_0 = arith.constant 0 : i32
    %c0_i32_1 = arith.constant 0 : i32
    return %c0_i32, %c0_i32_0 : i32, i32
  }
  func.func @transform_5(%arg0: i32) -> (i32, i32) {
    %c0_i32 = arith.constant 0 : i32
    %c0_i32_0 = arith.constant 0 : i32
    %c0_i32_1 = arith.constant 0 : i32
    return %c0_i32, %c0_i32_0 : i32, i32
  }
  func.func @transform_6(%arg0: i32) -> (i32, i32) {
    %c0_i32 = arith.constant 0 : i32
    %c0_i32_0 = arith.constant 0 : i32
    return %arg0, %c0_i32 : i32, i32
  }
  func.func @transform_7(%arg0: i32) -> (i32, i32) {
    %c0_i32 = arith.constant 0 : i32
    %c0_i32_0 = arith.constant 0 : i32
    return %arg0, %c0_i32 : i32, i32
  }
}

module attributes {stable_mosaic.version = 14 : i64} {
  func.func @body(%arg0: i32, %arg1: memref<1x5000x128xf32, #tpu.memory_space<vmem>>, %arg2: memref<1x5000x128xf32, #tpu.memory_space<vmem>>, %arg3: memref<5000x256xf32, #tpu.memory_space<vmem>>, %arg4: memref<5000x128xf32, #tpu.memory_space<vmem>>, %arg5: memref<256x128xf32, #tpu.memory_space<vmem>>, %arg6: memref<1x128xf32, #tpu.memory_space<vmem>>, %arg7: memref<256x128xf32, #tpu.memory_space<vmem>>, %arg8: memref<1x128xf32, #tpu.memory_space<vmem>>, %arg9: memref<5000x128xf32, #tpu.memory_space<vmem>>, %arg10: memref<5000x128xf32, #tpu.memory_space<vmem>>) attributes {dimension_semantics = [#tpu.dimension_semantics<arbitrary>], iteration_bounds = array<i64: 2>, scalar_prefetch = 0 : i64, scratch_operands = 0 : i64, tpu.core_type = #tpu.core_type<tc>, window_params = [{transform_indices = @transform_0, window_bounds = array<i64: 1, 5000, 128>}, {transform_indices = @transform_1, window_bounds = array<i64: 1, 5000, 128>}, {transform_indices = @transform_2, window_bounds = array<i64: 5000, 256>}, {transform_indices = @transform_3, window_bounds = array<i64: 5000, 128>}, {pipeline_mode = #tpu.pipeline_mode<synchronous>, transform_indices = @transform_4, window_bounds = array<i64: 256, 128>}, {pipeline_mode = #tpu.pipeline_mode<synchronous>, transform_indices = @transform_5, window_bounds = array<i64: 1, 128>}, {pipeline_mode = #tpu.pipeline_mode<synchronous>, transform_indices = @transform_6, window_bounds = array<i64: 256, 128>}, {pipeline_mode = #tpu.pipeline_mode<synchronous>, transform_indices = @transform_7, window_bounds = array<i64: 1, 128>}, {transform_indices = @transform_8, window_bounds = array<i64: 5000, 128>}, {transform_indices = @transform_9, window_bounds = array<i64: 5000, 128>}]} {
    %get3A = arith.constant 0 : index
    %get3A_0 = arith.constant 0 : index
    %get3A_1 = vector.load %arg4[%get3A, %get3A_0] : memref<5000x128xf32, #tpu.memory_space<vmem>>, vector<5000x128xf32>
    %concatenate3A = tpu.concatenate %get3A_1, %get3A_1 in 1 : vector<5000x128xf32>, vector<5000x128xf32> -> vector<5000x256xf32>
    %get3A_2 = arith.constant 0 : index
    %get3A_3 = arith.constant 0 : index
    %get3A_4 = arith.constant 0 : index
    %get3A_5 = vector.load %arg1[%get3A_2, %get3A_3, %get3A_4] : memref<1x5000x128xf32, #tpu.memory_space<vmem>>, vector<1x5000x128xf32>
    %get3A_6 = vector.shape_cast %get3A_5 : vector<1x5000x128xf32> to vector<5000x128xf32>
    %get3A_7 = arith.constant 0 : index
    %get3A_8 = arith.constant 0 : index
    %get3A_9 = arith.constant 0 : index
    %get3A_10 = vector.load %arg2[%get3A_7, %get3A_8, %get3A_9] : memref<1x5000x128xf32, #tpu.memory_space<vmem>>, vector<1x5000x128xf32>
    %get3A_11 = vector.shape_cast %get3A_10 : vector<1x5000x128xf32> to vector<5000x128xf32>
    %concatenate3A_12 = tpu.concatenate %get3A_6, %get3A_11 in 1 : vector<5000x128xf32>, vector<5000x128xf32> -> vector<5000x256xf32>
    %mul3A = arith.mulf %concatenate3A, %concatenate3A_12 : vector<5000x256xf32>
    %mul3A_13 = arith.mulf %concatenate3A, %concatenate3A : vector<5000x256xf32>
    %get3A_14 = arith.constant 0 : index
    %get3A_15 = arith.constant 0 : index
    %get3A_16 = vector.load %arg3[%get3A_14, %get3A_15] : memref<5000x256xf32, #tpu.memory_space<vmem>>, vector<5000x256xf32>
    %mul3A_17 = arith.mulf %mul3A_13, %get3A_16 : vector<5000x256xf32>
    %add3A = arith.addf %mul3A, %mul3A_17 : vector<5000x256xf32>
    %get3A_18 = arith.constant 0 : index
    %get3A_19 = arith.constant 0 : index
    %get3A_20 = vector.load %arg5[%get3A_18, %get3A_19] : memref<256x128xf32, #tpu.memory_space<vmem>>, vector<256x128xf32>
    %dot_general3A = arith.constant dense<0.000000e+00> : vector<5000x128xf32>
    %dot_general3A_21 = tpu.matmul %add3A, %get3A_20, %dot_general3A {dimension_numbers = #tpu.dot_dimension_numbers<[1], [0], [0], [1], [0, 0, 1, 1], [], []>, transpose_lhs_hint = false} : vector<5000x256xf32>, vector<256x128xf32>, vector<5000x128xf32> -> vector<5000x128xf32>
    %get3A_22 = arith.constant 0 : index
    %get3A_23 = arith.constant 0 : index
    %get3A_24 = vector.load %arg6[%get3A_22, %get3A_23] : memref<1x128xf32, #tpu.memory_space<vmem>>, vector<1x128xf32>
    %add3A_25 = vector.broadcast %get3A_24 : vector<1x128xf32> to vector<5000x128xf32>
    %add3A_26 = arith.addf %dot_general3A_21, %add3A_25 : vector<5000x128xf32>
    %swap3A = arith.constant 0 : index
    %swap3A_27 = arith.constant 0 : index
    %swap3A_28 = vector.load %arg9[%swap3A, %swap3A_27] : memref<5000x128xf32, #tpu.memory_space<vmem>>, vector<5000x128xf32>
    tpu.vector_store %arg9[%swap3A, %swap3A_27], %add3A_26 {strides = array<i32>} : memref<5000x128xf32, #tpu.memory_space<vmem>>, vector<5000x128xf32>,
    %get3A_29 = arith.constant 0 : index
    %get3A_30 = arith.constant 0 : index
    %get3A_31 = vector.load %arg7[%get3A_29, %get3A_30] : memref<256x128xf32, #tpu.memory_space<vmem>>, vector<256x128xf32>
    %dot_general3A_32 = arith.constant dense<0.000000e+00> : vector<5000x128xf32>
    %dot_general3A_33 = tpu.matmul %add3A, %get3A_31, %dot_general3A_32 {dimension_numbers = #tpu.dot_dimension_numbers<[1], [0], [0], [1], [0, 0, 1, 1], [], []>, transpose_lhs_hint = false} : vector<5000x256xf32>, vector<256x128xf32>, vector<5000x128xf32> -> vector<5000x128xf32>
    %get3A_34 = arith.constant 0 : index
    %get3A_35 = arith.constant 0 : index
    %get3A_36 = vector.load %arg8[%get3A_34, %get3A_35] : memref<1x128xf32, #tpu.memory_space<vmem>>, vector<1x128xf32>
    %add3A_37 = vector.broadcast %get3A_36 : vector<1x128xf32> to vector<5000x128xf32>
    %add3A_38 = arith.addf %dot_general3A_33, %add3A_37 : vector<5000x128xf32>
    %swap3A_39 = arith.constant 0 : index
    %swap3A_40 = arith.constant 0 : index
    %swap3A_41 = vector.load %arg10[%swap3A_39, %swap3A_40] : memref<5000x128xf32, #tpu.memory_space<vmem>>, vector<5000x128xf32>
    tpu.vector_store %arg10[%swap3A_39, %swap3A_40], %add3A_38 {strides = array<i32>} : memref<5000x128xf32, #tpu.memory_space<vmem>>, vector<5000x128xf32>,
    return
  }
  func.func @transform_0(%arg0: i32) -> (i32, i32, i32) {
    %c0_i32 = arith.constant 0 : i32
    %c0_i32_0 = arith.constant 0 : i32
    %c0_i32_1 = arith.constant 0 : i32
    return %c0_i32, %arg0, %c0_i32_0 : i32, i32, i32
  }
  func.func @transform_1(%arg0: i32) -> (i32, i32, i32) {
    %c1_i32 = arith.constant 1 : i32
    %c0_i32 = arith.constant 0 : i32
    %c0_i32_0 = arith.constant 0 : i32
    return %c1_i32, %arg0, %c0_i32 : i32, i32, i32
  }
  func.func @transform_2(%arg0: i32) -> (i32, i32) {
    %c0_i32 = arith.constant 0 : i32
    %c0_i32_0 = arith.constant 0 : i32
    return %arg0, %c0_i32 : i32, i32
  }
  func.func @transform_3(%arg0: i32) -> (i32, i32) {
    %c0_i32 = arith.constant 0 : i32
    %c0_i32_0 = arith.constant 0 : i32
    return %arg0, %c0_i32 : i32, i32
  }
  func.func @transform_4(%arg0: i32) -> (i32, i32) {
    %c0_i32 = arith.constant 0 : i32
    %c0_i32_0 = arith.constant 0 : i32
    %c0_i32_1 = arith.constant 0 : i32
    return %c0_i32, %c0_i32_0 : i32, i32
  }
  func.func @transform_5(%arg0: i32) -> (i32, i32) {
    %c0_i32 = arith.constant 0 : i32
    %c0_i32_0 = arith.constant 0 : i32
    %c0_i32_1 = arith.constant 0 : i32
    return %c0_i32, %c0_i32_0 : i32, i32
  }
  func.func @transform_6(%arg0: i32) -> (i32, i32) {
    %c0_i32 = arith.constant 0 : i32
    %c0_i32_0 = arith.constant 0 : i32
    %c0_i32_1 = arith.constant 0 : i32
    return %c0_i32, %c0_i32_0 : i32, i32
  }
  func.func @transform_7(%arg0: i32) -> (i32, i32) {
    %c0_i32 = arith.constant 0 : i32
    %c0_i32_0 = arith.constant 0 : i32
    %c0_i32_1 = arith.constant 0 : i32
    return %c0_i32, %c0_i32_0 : i32, i32
  }
  func.func @transform_8(%arg0: i32) -> (i32, i32) {
    %c0_i32 = arith.constant 0 : i32
    %c0_i32_0 = arith.constant 0 : i32
    return %arg0, %c0_i32 : i32, i32
  }
  func.func @transform_9(%arg0: i32) -> (i32, i32) {
    %c0_i32 = arith.constant 0 : i32
    %c0_i32_0 = arith.constant 0 : i32
    return %arg0, %c0_i32 : i32, i32
  }
}

</mosaic_0001>

<sc_bundles>
// kernel: kernel.11.cloned.1.call-start
scs
__scs_entry_jumppad:
0x0: {  	(pc) =	sbr.rel $0x88, $3  }
0x1: {  	(tag) =	ssettag $0x0;
	lr =	simm.s32 $0x1  }
0x2: {  	[smem:$0x3F99] =	sst lr;
	_ =	strace $0xD0000000  }
0x3: {  	_ = 	snop  }
0x4: {  	_ = 	snop  }
0x5: {  	_ = 	snop  }
0x6: {  	_ = 	snop  }
0x7: {  	_ = 	snop  }
__scs_overlays_trampoline_lowered:
0x8: {  	[smem:$0x3FA8] =	sst s0  }
0x9: {  	[smem:$0x3FA9] =	sst s1  }
0xa: {  	[smem:$0x3FAA] =	sst s2  }
0xb: {  	[smem:$0x3FAB] =	sst s3  }
0xc: {  	[smem:$0x3FAC] =	sst s4  }
0xd: {  	[smem:$0x3FAD] =	sst s5  }
0xe: {  	[smem:$0x3FAE] =	sst s6  }
0xf: {  	[smem:$0x3FAF] =	sst s7  }
0x10: {  	[smem:$0x3FB0] =	sst s8  }
0x11: {  	[smem:$0x3FB1] =	sst s9;
	s0 =	simm.s32 @!p0 $0x0  }
0x12: {  	s1 =	sld [smem:$0x3F97];
	s0 =	simm.s32 @p0 $0x1  }
0x13: {  	[smem:$0x3FB2] =	sst s0;
	s0 =	simm.s32 @!p1 $0x0  }
0x14: {  	s2 =	sld [smem:$0x3F96];
	s0 =	simm.s32 @p1 $0x1  }
0x15: {  	[smem:$0x3FB3] =	sst s0;
	s0 =	simm.s32 @!p2 $0x0  }
0x16: {  	s3 =	sld [smem:$0x3FDB];
	s0 =	simm.s32 @p2 $0x1  }
0x17: {  	s4 =	simm.s32 $0x1BF5;
	[smem:$0x3FB5] =	sst s0  }
0x18: {  	s0 =	sld [smem:$0x3F98];
	_ =	swait.ge [sflag:s4], $0x0  }
0x19: {  	s7 =	sld [smem:$0x3F99]  }
0x1a: {  	s8 =	sadd.s32 $0xFFFFE003, lr  }
0x1b: {  	s9 =	sadd.s32 $0xFFFFFEF7, lr;
	s5 =	simm.s32 $0xFFFFFFFF;
	p2 =	slt.u32 s8, $0xFFFFF086  }
0x1c: {  	p1 =	slt.u32 s9, $0xF7A;
	s5 =	simm.s32 @!p2 $0x0  }
0x1d: {  	s5 =	simm.s32 @p1 $0x1;
	p0 =	seq.s32 s7, s2  }
0x1e: {  	s7 =	smul.u32 @!p0 $0xF7A, s2;
	p2 =	seq.s32 @!p0 s5, $0x0  }
0x1f: {  	s9 =	smul.u32 $0xF7A, s1;
	s8 =	simm.s32 @!p0 $0x1BF5;
	p2 =	por !p2, p0  }
0x20: {  	[sflag:s8] =	ssyncset.s32 @!p0 $0xFFFFF086;
	s6 =	sadd.s32 @!p0 s3, s7;
	s7 =	simm.s32 @!p0 $0x108  }
0x21: {  	s3 =	sadd.s32 s3, s9;
	s6 =	sadd.s32 @!p0 $0x88, s6;
	s7 =	simm.s32 @p2 $0x1082  }
0x22: {  	[simem:s7], [sflag:s8] =	dma.local @!p0 [hbm:s6], $0xF7A  }
0x23: {  	s9 =	sor.u32 $0xD0000000, s2;
	s6 =	simm.s32 $0x108;
	_ =	swait.ge @!p0 [sflag:s8], $0x0  }
0x24: {  	s3 =	sadd.s32 $0x88, s3;
	s6 =	simm.s32 @!p1 $0x1082;
	[sflag:s4] =	ssyncset.s32 $0xFFFFF086  }
0x25: {  	[simem:s6], [sflag:s4] =	dma.local [hbm:s3], $0xF7A  }
0x26: {  	[smem:$0x3F99] =	sst s1;
	(tag) =	ssettag s2;
	_ =	strace s9  }
0x27: {  	s1 =	sld [smem:$0x3FA9]  }
0x28: {  	s2 =	sld [smem:$0x3FAA]  }
0x29: {  	s4 =	sld [smem:$0x3FAC]  }
0x2a: {  	p0 =	seq.s32 s5, $0x0;
	s5 =	sld [smem:$0x3FAD]  }
0x2b: {  	s6 =	sld [smem:$0x3FAE]  }
0x2c: {  	s7 =	sld [smem:$0x3FAF]  }
0x2d: {  	s3 =	simm.s32 $0x108;
	s8 =	sld [smem:$0x3FB0]  }
0x2e: {  	s3 =	simm.s32 @!p0 $0x1082;
	s9 =	sld [smem:$0x3FB1]  }
0x2f: {  	lr =	sadd.s32 s0, s3;
	s0 =	sld [smem:$0x3FA8]  }
0x30: {  	s3 =	sld [smem:$0x3FAB]  }
0x31: {  	[smem:$0x3FB4] =	sst s10  }
0x32: {  	s10 =	sld [smem:$0x3FB2];
	_ =	sdelay $0x3  }
0x33: {  	p0 =	seq.s32 s10, $0x1;
	s10 =	sld [smem:$0x3FB4];
	_ =	sdelay $0x3  }
0x34: {  	[smem:$0x3FB4] =	sst s10  }
0x35: {  	s10 =	sld [smem:$0x3FB3];
	_ =	sdelay $0x3  }
0x36: {  	p1 =	seq.s32 s10, $0x1;
	s10 =	sld [smem:$0x3FB4];
	_ =	sdelay $0x3  }
0x37: {  	[smem:$0x3FB4] =	sst s10  }
0x38: {  	s10 =	sld [smem:$0x3FB5]  }
0x39: {  	_ = 	snop;
	(pc) =	sbr.ind lr, $3  }
0x3a: {  	_ = 	snop  }
0x3b: {  	_ = 	snop  }
0x3c: {  	p2 =	seq.s32 s10, $0x1;
	s10 =	sld [smem:$0x3FB4]  }
0x3d: {  	_ =	shalt  }
0x3e: {  	_ =	shalt  }
0x3f: {  	_ =	shalt  }
0x40: {  	_ =	shalt  }
0x41: {  	_ =	shalt  }
0x42: {  	_ =	shalt  }
0x43: {  	_ =	shalt  }
0x44: {  	_ =	shalt  }
0x45: {  	_ =	shalt  }
0x46: {  	_ =	shalt  }
0x47: {  	_ =	shalt  }
0x48: {  	_ =	shalt  }
0x49: {  	_ =	shalt  }
0x4a: {  	_ =	shalt  }
0x4b: {  	_ =	shalt  }
0x4c: {  	_ =	shalt  }
0x4d: {  	_ =	shalt  }
0x4e: {  	_ =	shalt  }
0x4f: {  	_ =	shalt  }
0x50: {  	_ =	shalt  }
0x51: {  	_ =	shalt  }
0x52: {  	_ =	shalt  }
0x53: {  	_ =	shalt  }
0x54: {  	_ =	shalt  }
0x55: {  	_ =	shalt  }
0x56: {  	_ =	shalt  }
0x57: {  	_ =	shalt  }
0x58: {  	_ =	shalt  }
0x59: {  	_ =	shalt  }
0x5a: {  	_ =	shalt  }
0x5b: {  	_ =	shalt  }
0x5c: {  	_ =	shalt  }
0x5d: {  	_ =	shalt  }
0x5e: {  	_ =	shalt  }
0x5f: {  	_ =	shalt  }
0x60: {  	_ =	shalt  }
0x61: {  	_ =	shalt  }
0x62: {  	_ =	shalt  }
0x63: {  	_ =	shalt  }
0x64: {  	_ =	shalt  }
0x65: {  	_ =	shalt  }
0x66: {  	_ =	shalt  }
0x67: {  	_ =	shalt  }
0x68: {  	_ =	shalt  }
0x69: {  	_ =	shalt  }
0x6a: {  	_ =	shalt  }
0x6b: {  	_ =	shalt  }
0x6c: {  	_ =	shalt  }
0x6d: {  	_ =	shalt  }
0x6e: {  	_ =	shalt  }
0x6f: {  	_ =	shalt  }
0x70: {  	_ =	shalt  }
0x71: {  	_ =	shalt  }
0x72: {  	_ =	shalt  }
0x73: {  	_ =	shalt  }
0x74: {  	_ =	shalt  }
0x75: {  	_ =	shalt  }
0x76: {  	_ =	shalt  }
0x77: {  	_ =	shalt  }
0x78: {  	_ =	shalt  }
0x79: {  	_ =	shalt  }
0x7a: {  	_ =	shalt  }
0x7b: {  	_ =	shalt  }
0x7c: {  	_ =	shalt  }
0x7d: {  	_ =	shalt  }
0x7e: {  	_ =	shalt  }
0x7f: {  	_ =	shalt  }
0x80: {  	_ =	shalt  }
0x81: {  	_ =	shalt  }
0x82: {  	_ =	shalt  }
0x83: {  	_ =	shalt  }
0x84: {  	_ =	shalt  }
0x85: {  	_ =	shalt  }
0x86: {  	_ =	shalt  }
0x87: {  	_ =	shalt  }
.Lfunc_end0:
.L_simem_size_0:
called_computation.1_lowered:
.L_overlay_start_0:
0x88: {  	s2 =	sld [smem:$0x3FD9]  }
0x89: {  	s3 =	sld [smem:$0x3FFE];
	_ =	sdelay $0x1  }
0x8a: {  	s1 =	srdreg.scid  }
0x8b: {  	s0 =	sand.u32 $0x1, s1  }
0x8c: {  	s14 =	sshll.u32 s0, $0xA;
	s2 =	sadd.s32 s3, s2  }
0x8d: {  	s2 =	sadd.s32 s2, s14  }
0x8e: {  	[smem:$0x3FC0] =	sst s2  }
0x8f: {  	_ = 	snop  }
0x90: {  	s2 =	sld [smem:$0x3FD0];
	_ =	sdelay $0x2  }
0x91: {  	s15 =	simm.s32 $0xA;
	s4 =	simm.s32 $0x10  }
0x92: {  	[smem:s4], [sflag:s15] =	dma.local [hbm:s2], $0x1  }
0x93: {  	_ =	swait.eq [sflag:s15], $0x1  }
0x94: {  	[sflag:s15] =	ssyncset.done $0x0  }
0x95: {  	[sflag:s15] =	ssyncadd.s32 $0xFFFFFFFF  }
0x96: {  	s16 =	sld [smem:$0x11];
	(tm) =	ssettm $0x1  }
0x97: {  	s17 =	sld [smem:$0x3FFB];
	_ =	sdelay $0x3  }
0x98: {  	_ =	strace s17  }
0x99: {  	s3 =	sld [smem:$0x3FFC];
	_ =	sdelay $0x3  }
0x9a: {  	_ =	strace s3  }
0x9b: {  	s3 =	sld [smem:$0x3FFD];
	_ =	sdelay $0x3  }
0x9c: {  	_ =	strace s3  }
0x9d: {  	_ =	strace $0x8FFFFFFF  }
0x9e: {  	s18 =	sld [smem:$0x3FDB];
	_ =	sdelay $0x1  }
0x9f: {  	s19 =	simm.s32 $_scs_section_size  }
0xa0: {  	s5 =	simm.s32 $_size__tile_overlayer_lowered;
	s6 =	simm.s32 $_tile_overlayer_lowered  }
0xa1: {  	s22 =	simm.s32 $0x1BFF;
	s21 =	sshll.u32 s6, $0x1;
	s3 =	sadd.s32 s19, s18  }
0xa2: {  	s7 =	simm.s32 $0x0;
	s20 =	sshll.u32 s5, $0x1;
	s5 =	sadd.s32 s21, s3  }
0xa3: {  	[timem:s7], [sflag:s22] =	dma.local [hbm:s5], s20  }
0xa4: {  	_ =	swait.ge [sflag:s22], s20  }
0xa5: {  	s4 =	ssub.s32 $0x0, s20;
	[sflag:s22] =	ssyncset.done $0x0  }
0xa6: {  	[sflag:s22] =	ssyncadd.s32 s4;
	_ =	sdelay $0x1  }
0xa7: {  	s23 =	simm.s32 $0x1B8B  }
0xa8: {  	_ =	swait.ge [sflag:s23], $0x1  }
0xa9: {  	[sflag:s23] =	ssyncset.done $0x0  }
0xaa: {  	s25 =	simm.s32 $0x1B8E;
	s24 =	sld [smem:$0x3FFE];
	[sflag:s23] =	ssyncadd.s32 $0xFFFFFFFF  }
0xab: {  	s26 =	simm.s32 $execute0_lowered;
	[smem:$0x3FD2] =	sst s25  }
0xac: {  	s5 =	sshll.u32 s26, $0x1;
	_ =	strace $0x80000049;
	[dreg:$0x1] =	wrdreg $0xFFFFFFFF  }
0xad: {  	s28 =	simm.s32 $_size_execute0_lowered;
	s3 =	sadd.s32 s3, s5;
	[dreg:$0x0] =	wrdreg $0x0  }
0xae: {  	s5 =	sshll.u32 s28, $0x1;
	[dreg:$0x2] =	wrdreg s3  }
0xaf: {  	[dreg:$0x3] =	wrdreg s5  }
0xb0: {  	[dreg:$0x4] =	wrdreg $0xC0  }
0xb1: {  	_ =	task [dreg:s7], $0x5FFFF  }
0xb2: {  	[dreg:$0x1] =	wrdreg $0xFFFFFFFF  }
0xb3: {  	[dreg:$0x0] =	wrdreg $0x60  }
0xb4: {  	[dreg:$0x2] =	wrdreg s16  }
0xb5: {  	[dreg:$0x3] =	wrdreg s24  }
0xb6: {  	[dreg:$0x4] =	wrdreg $0xA8000  }
0xb7: {  	[dreg:$0x5] =	wrdreg $0x9  }
0xb8: {  	_ =	task.clear_ibuf [dreg:s7], $0x6FFFF;
	_ =	strace $0x90000049  }
0xb9: {  	s29 =	simm.s32 $0x9;
	_ =	strace $0x8000004B  }
0xba: {  	_ =	swait.ge [sflag:s29], $0x1  }
0xbb: {  	[sflag:s29] =	ssyncadd.s32 $0xFFFFFFFF  }
0xbc: {  	_ =	strace $0x9000004B  }
0xbd: {  	_ =	sfence  }
0xbe: {  	s30 =	sld [smem:$0x0];
	_ =	sdelay $0x2  }
0xbf: {  	s31 =	sshll.u32 s1, $0xD;
	s1 =	sshrl.u32 s1, $0x2  }
0xc0: {  	s3 =	sand.u32 $0x4000, s31;
	s1 =	sadd.s32 s1, s30  }
0xc1: {  	s0 =	sor.u32 s3, s0;
	s1 =	sshll.u32 s1, $0x11  }
0xc2: {  	s0 =	sor.u32 s1, s0  }
0xc3: {  	s0 =	sadd.s32 $0x8F2B, s0  }
0xc4: {  	[sflag:s0] =	ssyncadd.remote.s32 $0x1  }
0xc5: {  	_ =	sfence.sel $0xFFFF  }
0xc6: {  	[dreg:$0x0] =	wrdreg $0xFFFFFFFF;
	(pc) =	sbr.abs _section_cstart, $3  }
0xc7: {  	[dreg:$0x1] =	wrdreg $0xFFFFFFFF  }
0xc8: {  	_ =	task.clear_ibuf [dreg:s7], $0x2FFFF;
	_ =	strace $0x9FFFFFFF  }
0xc9: {  	(tm) =	ssettm $0x7FFFFFFF  }
tec
execute0_lowered:
.L_overlay_start_1:
0x0: {  	(tag) =	ssettag $0x1  }
0x1: {  	s0 =	rddreg [dreg:$0x0]  }
0x2: {  	s6 =	rddreg [dreg:$0x1];
	s1 =	srdreg.scid  }
0x3: {  	s3 =	rddreg [dreg:$0x2];
	s2 =	stileid.u32;
	s4 =	simm.s32 $0x0  }
0x4: {  	s16 =	simm.s32 $0x1400;
	s17 =	simm.s32 $0x80;
	s18 =	simm.s32 $0x2800  }
0x5: {  	s19 =	simm.s32 $0x1;
	s20 =	simm.s32 $0x6800;
	s21 =	simm.s32 $0x2  }
0x6: {  	s22 =	simm.s32 $0x3;
	s23 =	simm.s32 $0x100;
	s24 =	simm.s32 $0x1480  }
0x7: {  	s25 =	simm.s32 $0x4;
	s7 =	sand.u32 $0x1, s1;
	s1 =	rddreg [dreg:$0x3]  }
0x8: {  	s26 =	simm.s32 $0x0;
	s8 =	smul.u32 $0x14000, s2;
	[smem:$0x7FF] =	sst s4  }
0x9: {  	s11 =	sadd.s32 $0x2000, s6;
	s12 =	sadd.s32 $0xC000, s6;
	s10 =	smul.u32 $0x50000, s2  }
0xa: {  	s13 =	sshll.u32 s2, $0x6;
	s5 =	smul.u32 $0x140000, s7;
	s9 =	ssub.s32 $0x2, s7  }
0xb: {  	_ =	strace $0x8000004A;
	s7 =	sshll.u32 s7, $0x4;
	s30 =	sshrl.u32 s9, $0x1  }
0xc: {  	s7 =	sor.u32 s2, s7;
	s10 =	sshrl.u32 s10, $0x2;
	s8 =	sadd.s32 s8, s5  }
0xd: {  	s5 =	sadd.s32 $0x16000, s6;
	s14 =	smul.u32 $0x500, s7;
	s9 =	ssub.s32 s9, s30  }
.Ltmp0:
0xe: {  	s15 =	sadd.s32 s10, s3;
	s8 =	sshrl.u32 s8, $0x3;
	(pc) =	sbr.rel .LBB2_1-.Ltmp0, $4  }
0xf: {  	s8 =	sadd.s32 s8, s6;
	s6 =	sor.u32 $0x1C05, s13;
	s31 =	sadd.s32 $0x280, s14  }
0x10: {  	s10 =	sadd.s32 s12, s14;
	s13 =	sshrl.u32 s15, $0x3;
	s15 =	simm.s32 $0x6  }
0x11: {  	s7 =	sadd.s32 $0x18800, s8;
	s8 =	smax.u32 s9, $0x1;
	s9 =	sadd.s32 s11, s14  }
0x12: {  	s11 =	sadd.s32 s11, s31;
	s12 =	sadd.s32 s12, s31;
	s14 =	simm.s32 $0x5  }
.LBB2_7:
0x13: {  	[spmem:s3] =	stream.indirect.scatter.add.f32 [tilespmem:s20], [sflag:$0x4], $0x80, s30, s17, $0xb8;
	[tilespmem:$0x1E800] =	vst v63  }
0x14: {  	_ =	swait.ge [sflag:s25], $0x4000  }
0x15: {  	s26 =	sadd.s32 $0x1, s26;
	[sflag:s25] =	ssyncset.done $0x0  }
0x16: {  	p0 =	sne.s32 s26, s8;
	[sflag:s25] =	ssyncadd.s32 $0xFFFFC000  }
.Ltmp1:
0x17: {  	[bflag:$0x0] =	sbarrier.arrive $0xFFFF;
	(pc) =	sbr.rel @!p0 .LBB2_8-.Ltmp1, $4  }
0x18: {  	[hbm:s7], [sflag:s6] =	dma.local [spmem:s13], $0x2800  }
0x19: {  	_ =	swait.ge [sflag:s14], $0x2800  }
0x1a: {  	[sflag:s14] =	ssyncset.done $0x0  }
0x1b: {  	[sflag:s14] =	ssyncadd.s32 $0xFFFFD800  }
.LBB2_1:
0x1c: {  	[spmem:s13], [sflag:s6] =	dma.local [hbm:s5], $0x2800  }
0x1d: {  	_ =	swait.ge [sflag:s14], $0x2800  }
0x1e: {  	[sflag:s14] =	ssyncset.done $0x0  }
0x1f: {  	[sflag:s14] =	ssyncadd.s32 $0xFFFFD800  }
0x20: {  	[bflag:$0x0] =	sbarrier.arrive $0xFFFF  }
0x21: {  	[tilespmem:s4], [sflag:$0x6] =	stream.linear.gather [hbm4b:s9+s4], $0x1400, $0x38;
	[tilespmem:$0x1E800] =	vst v63  }
0x22: {  	_ =	swait.ge [sflag:s15], $0x1400  }
0x23: {  	[sflag:s15] =	ssyncset.done $0x0  }
0x24: {  	[sflag:s15] =	ssyncadd.s32 $0xFFFFEC00  }
0x25: {  	[tilespmem:s16], [sflag:$0x6] =	stream.linear.gather [hbm4b:s10+s4], $0x1400, $0x38;
	[tilespmem:$0x1E800] =	vst v63  }
0x26: {  	_ =	swait.ge [sflag:s15], $0x1400  }
0x27: {  	[sflag:s15] =	ssyncset.done $0x0  }
0x28: {  	[sflag:s15] =	ssyncadd.s32 $0xFFFFEC00  }
0x29: {  	[tilespmem:s18], [sflag:$0x1] =	stream.indirect.gather [hbm4b:s0+s17], $0x80, s4, s17, $0xb8;
	[tilespmem:$0x1E800] =	vst v63  }
0x2a: {  	_ =	swait.ge [sflag:s19], $0x4000  }
0x2b: {  	[sflag:s19] =	ssyncset.done $0x0  }
0x2c: {  	[sflag:s19] =	ssyncadd.s32 $0xFFFFC000  }
0x2d: {  	[tilespmem:s20], [sflag:$0x2] =	stream.indirect.gather [hbm4b:s0+s17], $0x80, s17, s17, $0xb8;
	[tilespmem:$0x1E800] =	vst v63  }
0x2e: {  	_ = 	snop  }
0x2f: {  	[spmem:s3] =	stream.indirect.scatter.add.f32 [tilespmem:s18], [sflag:$0x3], $0x80, s16, s17, $0xb8;
	[tilespmem:$0x1E800] =	vst v63  }
0x30: {  	_ =	swait.ge [sflag:s21], $0x4000  }
0x31: {  	[sflag:s21] =	ssyncset.done $0x0  }
0x32: {  	[sflag:s21] =	ssyncadd.s32 $0xFFFFC000  }
0x33: {  	_ =	swait.ge [sflag:s22], $0x4000  }
0x34: {  	[sflag:s22] =	ssyncset.done $0x0  }
0x35: {  	[sflag:s22] =	ssyncadd.s32 $0xFFFFC000  }
0x36: {  	[tilespmem:s18], [sflag:$0x1] =	stream.indirect.gather [hbm4b:s0+s17], $0x80, s23, s17, $0xb8;
	[tilespmem:$0x1E800] =	vst v63  }
0x37: {  	s28 =	simm.s32 $0xFFFFB800  }
0x38: {  	[spmem:s3] =	stream.indirect.scatter.add.f32 [tilespmem:s20], [sflag:$0x4], $0x80, s24, s17, $0xb8;
	[tilespmem:$0x1E800] =	vst v63  }
.LBB2_2:
0x39: {  	_ =	swait.ge [sflag:s19], $0x4000  }
0x3a: {  	[sflag:s19] =	ssyncset.done $0x0  }
0x3b: {  	[sflag:s19] =	ssyncadd.s32 $0xFFFFC000  }
0x3c: {  	_ =	swait.ge [sflag:s25], $0x4000  }
0x3d: {  	s29 =	sshra.s32 s28, $0x2;
	[sflag:s25] =	ssyncset.done $0x0  }
0x3e: {  	s30 =	sadd.s32 $0x1380, s29;
	[sflag:s25] =	ssyncadd.s32 $0xFFFFC000  }
0x3f: {  	[tilespmem:s20], [sflag:$0x2] =	stream.indirect.gather [hbm4b:s0+s17], $0x80, s30, s17, $0xb8;
	[tilespmem:$0x1E800] =	vst v63  }
0x40: {  	s30 =	sadd.s32 $0x2700, s29  }
0x41: {  	[spmem:s3] =	stream.indirect.scatter.add.f32 [tilespmem:s18], [sflag:$0x3], $0x80, s30, s17, $0xb8;
	[tilespmem:$0x1E800] =	vst v63  }
0x42: {  	p0 =	seq.s32 s28, $0x0;
	_ =	swait.ge [sflag:s21], $0x4000  }
.Ltmp2:
0x43: {  	[sflag:s21] =	ssyncset.done $0x0;
	(pc) =	sbr.rel @p0 .LBB2_4-.Ltmp2, $4  }
0x44: {  	[sflag:s21] =	ssyncadd.s32 $0xFFFFC000  }
0x45: {  	_ =	swait.ge [sflag:s22], $0x4000  }
0x46: {  	[sflag:s22] =	ssyncset.done $0x0  }
0x47: {  	s30 =	sadd.s32 $0x2780, s29;
	[sflag:s22] =	ssyncadd.s32 $0xFFFFC000  }
.Ltmp3:
0x48: {  	(pc) =	sbr.rel .LBB2_2-.Ltmp3, $4  }
0x49: {  	s29 =	sadd.s32 $0x1400, s29  }
0x4a: {  	[tilespmem:s18], [sflag:$0x1] =	stream.indirect.gather [hbm4b:s0+s17], $0x80, s29, s17, $0xb8;
	[tilespmem:$0x1E800] =	vst v63  }
0x4b: {  	s28 =	sadd.s32 $0x400, s28  }
0x4c: {  	[spmem:s3] =	stream.indirect.scatter.add.f32 [tilespmem:s20], [sflag:$0x4], $0x80, s30, s17, $0xb8;
	[tilespmem:$0x1E800] =	vst v63  }
.LBB2_4:
0x4d: {  	[spmem:s3] =	stream.indirect.scatter.add.f32 [tilespmem:s20], [sflag:$0x4], $0x80, s30, s17, $0xb8;
	[tilespmem:$0x1E800] =	vst v63  }
0x4e: {  	_ =	swait.ge [sflag:s25], $0x4000  }
0x4f: {  	[sflag:s25] =	ssyncset.done $0x0  }
0x50: {  	[sflag:s25] =	ssyncadd.s32 $0xFFFFC000  }
0x51: {  	[tilespmem:s4], [sflag:$0x6] =	stream.linear.gather [hbm4b:s11+s4], $0x1400, $0x38;
	[tilespmem:$0x1E800] =	vst v63  }
0x52: {  	_ =	swait.ge [sflag:s15], $0x1400  }
0x53: {  	[sflag:s15] =	ssyncset.done $0x0  }
0x54: {  	[sflag:s15] =	ssyncadd.s32 $0xFFFFEC00  }
0x55: {  	[tilespmem:s16], [sflag:$0x6] =	stream.linear.gather [hbm4b:s12+s4], $0x1400, $0x38;
	[tilespmem:$0x1E800] =	vst v63  }
0x56: {  	_ =	swait.ge [sflag:s15], $0x1400  }
0x57: {  	[sflag:s15] =	ssyncset.done $0x0  }
0x58: {  	[sflag:s15] =	ssyncadd.s32 $0xFFFFEC00  }
0x59: {  	[tilespmem:s18], [sflag:$0x1] =	stream.indirect.gather [hbm4b:s0+s17], $0x80, s4, s17, $0xb8;
	[tilespmem:$0x1E800] =	vst v63  }
0x5a: {  	_ =	swait.ge [sflag:s19], $0x4000  }
0x5b: {  	[sflag:s19] =	ssyncset.done $0x0  }
0x5c: {  	[sflag:s19] =	ssyncadd.s32 $0xFFFFC000  }
0x5d: {  	[tilespmem:s20], [sflag:$0x2] =	stream.indirect.gather [hbm4b:s0+s17], $0x80, s17, s17, $0xb8;
	[tilespmem:$0x1E800] =	vst v63  }
0x5e: {  	_ = 	snop  }
0x5f: {  	[spmem:s3] =	stream.indirect.scatter.add.f32 [tilespmem:s18], [sflag:$0x3], $0x80, s16, s17, $0xb8;
	[tilespmem:$0x1E800] =	vst v63  }
0x60: {  	_ =	swait.ge [sflag:s21], $0x4000  }
0x61: {  	[sflag:s21] =	ssyncset.done $0x0  }
0x62: {  	[sflag:s21] =	ssyncadd.s32 $0xFFFFC000  }
0x63: {  	_ =	swait.ge [sflag:s22], $0x4000  }
0x64: {  	[sflag:s22] =	ssyncset.done $0x0  }
0x65: {  	[sflag:s22] =	ssyncadd.s32 $0xFFFFC000  }
0x66: {  	[tilespmem:s18], [sflag:$0x1] =	stream.indirect.gather [hbm4b:s0+s17], $0x80, s23, s17, $0xb8;
	[tilespmem:$0x1E800] =	vst v63  }
0x67: {  	s28 =	simm.s32 $0xFFFFB800  }
0x68: {  	[spmem:s3] =	stream.indirect.scatter.add.f32 [tilespmem:s20], [sflag:$0x4], $0x80, s24, s17, $0xb8;
	[tilespmem:$0x1E800] =	vst v63  }
.LBB2_5:
0x69: {  	_ =	swait.ge [sflag:s19], $0x4000  }
0x6a: {  	[sflag:s19] =	ssyncset.done $0x0  }
0x6b: {  	[sflag:s19] =	ssyncadd.s32 $0xFFFFC000  }
0x6c: {  	_ =	swait.ge [sflag:s25], $0x4000  }
0x6d: {  	s29 =	sshra.s32 s28, $0x2;
	[sflag:s25] =	ssyncset.done $0x0  }
0x6e: {  	s30 =	sadd.s32 $0x1380, s29;
	[sflag:s25] =	ssyncadd.s32 $0xFFFFC000  }
0x6f: {  	[tilespmem:s20], [sflag:$0x2] =	stream.indirect.gather [hbm4b:s0+s17], $0x80, s30, s17, $0xb8;
	[tilespmem:$0x1E800] =	vst v63  }
0x70: {  	s30 =	sadd.s32 $0x2700, s29  }
0x71: {  	[spmem:s3] =	stream.indirect.scatter.add.f32 [tilespmem:s18], [sflag:$0x3], $0x80, s30, s17, $0xb8;
	[tilespmem:$0x1E800] =	vst v63  }
0x72: {  	p0 =	seq.s32 s28, $0x0;
	_ =	swait.ge [sflag:s21], $0x4000  }
.Ltmp4:
0x73: {  	[sflag:s21] =	ssyncset.done $0x0;
	(pc) =	sbr.rel @p0 .LBB2_7-.Ltmp4, $4  }
0x74: {  	[sflag:s21] =	ssyncadd.s32 $0xFFFFC000  }
0x75: {  	_ =	swait.ge [sflag:s22], $0x4000  }
0x76: {  	[sflag:s22] =	ssyncset.done $0x0  }
0x77: {  	s30 =	sadd.s32 $0x2780, s29;
	[sflag:s22] =	ssyncadd.s32 $0xFFFFC000  }
.Ltmp5:
0x78: {  	(pc) =	sbr.rel .LBB2_5-.Ltmp5, $4  }
0x79: {  	s29 =	sadd.s32 $0x1400, s29  }
0x7a: {  	[tilespmem:s18], [sflag:$0x1] =	stream.indirect.gather [hbm4b:s0+s17], $0x80, s29, s17, $0xb8;
	[tilespmem:$0x1E800] =	vst v63  }
0x7b: {  	s28 =	sadd.s32 $0x400, s28  }
0x7c: {  	[spmem:s3] =	stream.indirect.scatter.add.f32 [tilespmem:s20], [sflag:$0x4], $0x80, s30, s17, $0xb8;
	[tilespmem:$0x1E800] =	vst v63  }
.LBB2_8:
0x7d: {  	_ =	sfence.sel $0x180000  }
0x7e: {  	[bflag:$0x0] =	sbarrier.arrive $0xFFFF  }
0x7f: {  	p0 =	sne.s32 s2, $0x0;
	_ =	strace $0x9000004A  }
0x80: {  	s0 =	sadd.s32 @!p0 $0x100000, s1;
	[bflag:$0x2] =	sbarrier.arrive $0xFFFF  }
0x81: {  	[sflag:s0] =	ssyncadd.tile.s32 @!p0 $0x1;
	_ =	shalt  }
.Lfunc_end2:
_tile_overlayer_lowered:
.L_overlay_start_2:
0x82: {  	(tag) =	ssettag $0x2  }
0x83: {  	s0 =	rddreg [dreg:$0x0];
	s2 =	stileid.u32  }
0x84: {  	s1 =	rddreg [dreg:$0x1];
	p0 =	sne.s32 s2, $0x0  }
0x85: {  	s3 =	rddreg [dreg:$0x2];
	[bflag:$0x3] =	sbarrier.arrive $0xFFFF;
	s2 =	simm.s32 @!p0 $0x1C06  }
0x86: {  	[timem:s3], [sflag:s2] =	dma.local @!p0 [hbm:s0], s1  }
0x87: {  	s0 =	simm.s32 @!p0 $0x6  }
0x88: {  	_ =	swait.ge @!p0 [sflag:s0], s1  }
0x89: {  	s1 =	ssub.s32 @!p0 $0x0, s1;
	[sflag:s0] =	ssyncset.done @!p0 $0x0  }
0x8a: {  	[sflag:s0] =	ssyncadd.s32 @!p0 s1  }
0x8b: {  	[bflag:$0x3] =	sbarrier.arrive $0xFFFF  }
0x8c: {  	_ =	shalt  }

// kernel: kernel.14.cloned.1.call-start
scs
__scs_entry_jumppad:
0x0: {  	(pc) =	sbr.rel $0x88, $3  }
0x1: {  	(tag) =	ssettag $0x0;
	lr =	simm.s32 $0x1  }
0x2: {  	[smem:$0x3F99] =	sst lr;
	_ =	strace $0xD0000000  }
0x3: {  	_ = 	snop  }
0x4: {  	_ = 	snop  }
0x5: {  	_ = 	snop  }
0x6: {  	_ = 	snop  }
0x7: {  	_ = 	snop  }
__scs_overlays_trampoline_lowered:
0x8: {  	[smem:$0x3FA8] =	sst s0  }
0x9: {  	[smem:$0x3FA9] =	sst s1  }
0xa: {  	[smem:$0x3FAA] =	sst s2  }
0xb: {  	[smem:$0x3FAB] =	sst s3  }
0xc: {  	[smem:$0x3FAC] =	sst s4  }
0xd: {  	[smem:$0x3FAD] =	sst s5  }
0xe: {  	[smem:$0x3FAE] =	sst s6  }
0xf: {  	[smem:$0x3FAF] =	sst s7  }
0x10: {  	[smem:$0x3FB0] =	sst s8  }
0x11: {  	[smem:$0x3FB1] =	sst s9;
	s0 =	simm.s32 @!p0 $0x0  }
0x12: {  	s1 =	sld [smem:$0x3F97];
	s0 =	simm.s32 @p0 $0x1  }
0x13: {  	[smem:$0x3FB2] =	sst s0;
	s0 =	simm.s32 @!p1 $0x0  }
0x14: {  	s2 =	sld [smem:$0x3F96];
	s0 =	simm.s32 @p1 $0x1  }
0x15: {  	[smem:$0x3FB3] =	sst s0;
	s0 =	simm.s32 @!p2 $0x0  }
0x16: {  	s3 =	sld [smem:$0x3FDB];
	s0 =	simm.s32 @p2 $0x1  }
0x17: {  	s4 =	simm.s32 $0x1BF5;
	[smem:$0x3FB5] =	sst s0  }
0x18: {  	s0 =	sld [smem:$0x3F98];
	_ =	swait.ge [sflag:s4], $0x0  }
0x19: {  	s7 =	sld [smem:$0x3F99]  }
0x1a: {  	s8 =	sadd.s32 $0xFFFFE003, lr  }
0x1b: {  	s9 =	sadd.s32 $0xFFFFFEF7, lr;
	s5 =	simm.s32 $0xFFFFFFFF;
	p2 =	slt.u32 s8, $0xFFFFF086  }
0x1c: {  	p1 =	slt.u32 s9, $0xF7A;
	s5 =	simm.s32 @!p2 $0x0  }
0x1d: {  	s5 =	simm.s32 @p1 $0x1;
	p0 =	seq.s32 s7, s2  }
0x1e: {  	s7 =	smul.u32 @!p0 $0xF7A, s2;
	p2 =	seq.s32 @!p0 s5, $0x0  }
0x1f: {  	s9 =	smul.u32 $0xF7A, s1;
	s8 =	simm.s32 @!p0 $0x1BF5;
	p2 =	por !p2, p0  }
0x20: {  	[sflag:s8] =	ssyncset.s32 @!p0 $0xFFFFF086;
	s6 =	sadd.s32 @!p0 s3, s7;
	s7 =	simm.s32 @!p0 $0x108  }
0x21: {  	s3 =	sadd.s32 s3, s9;
	s6 =	sadd.s32 @!p0 $0x88, s6;
	s7 =	simm.s32 @p2 $0x1082  }
0x22: {  	[simem:s7], [sflag:s8] =	dma.local @!p0 [hbm:s6], $0xF7A  }
0x23: {  	s9 =	sor.u32 $0xD0000000, s2;
	s6 =	simm.s32 $0x108;
	_ =	swait.ge @!p0 [sflag:s8], $0x0  }
0x24: {  	s3 =	sadd.s32 $0x88, s3;
	s6 =	simm.s32 @!p1 $0x1082;
	[sflag:s4] =	ssyncset.s32 $0xFFFFF086  }
0x25: {  	[simem:s6], [sflag:s4] =	dma.local [hbm:s3], $0xF7A  }
0x26: {  	[smem:$0x3F99] =	sst s1;
	(tag) =	ssettag s2;
	_ =	strace s9  }
0x27: {  	s1 =	sld [smem:$0x3FA9]  }
0x28: {  	s2 =	sld [smem:$0x3FAA]  }
0x29: {  	s4 =	sld [smem:$0x3FAC]  }
0x2a: {  	p0 =	seq.s32 s5, $0x0;
	s5 =	sld [smem:$0x3FAD]  }
0x2b: {  	s6 =	sld [smem:$0x3FAE]  }
0x2c: {  	s7 =	sld [smem:$0x3FAF]  }
0x2d: {  	s3 =	simm.s32 $0x108;
	s8 =	sld [smem:$0x3FB0]  }
0x2e: {  	s3 =	simm.s32 @!p0 $0x1082;
	s9 =	sld [smem:$0x3FB1]  }
0x2f: {  	lr =	sadd.s32 s0, s3;
	s0 =	sld [smem:$0x3FA8]  }
0x30: {  	s3 =	sld [smem:$0x3FAB]  }
0x31: {  	[smem:$0x3FB4] =	sst s10  }
0x32: {  	s10 =	sld [smem:$0x3FB2];
	_ =	sdelay $0x3  }
0x33: {  	p0 =	seq.s32 s10, $0x1;
	s10 =	sld [smem:$0x3FB4];
	_ =	sdelay $0x3  }
0x34: {  	[smem:$0x3FB4] =	sst s10  }
0x35: {  	s10 =	sld [smem:$0x3FB3];
	_ =	sdelay $0x3  }
0x36: {  	p1 =	seq.s32 s10, $0x1;
	s10 =	sld [smem:$0x3FB4];
	_ =	sdelay $0x3  }
0x37: {  	[smem:$0x3FB4] =	sst s10  }
0x38: {  	s10 =	sld [smem:$0x3FB5]  }
0x39: {  	_ = 	snop;
	(pc) =	sbr.ind lr, $3  }
0x3a: {  	_ = 	snop  }
0x3b: {  	_ = 	snop  }
0x3c: {  	p2 =	seq.s32 s10, $0x1;
	s10 =	sld [smem:$0x3FB4]  }
0x3d: {  	_ =	shalt  }
0x3e: {  	_ =	shalt  }
0x3f: {  	_ =	shalt  }
0x40: {  	_ =	shalt  }
0x41: {  	_ =	shalt  }
0x42: {  	_ =	shalt  }
0x43: {  	_ =	shalt  }
0x44: {  	_ =	shalt  }
0x45: {  	_ =	shalt  }
0x46: {  	_ =	shalt  }
0x47: {  	_ =	shalt  }
0x48: {  	_ =	shalt  }
0x49: {  	_ =	shalt  }
0x4a: {  	_ =	shalt  }
0x4b: {  	_ =	shalt  }
0x4c: {  	_ =	shalt  }
0x4d: {  	_ =	shalt  }
0x4e: {  	_ =	shalt  }
0x4f: {  	_ =	shalt  }
0x50: {  	_ =	shalt  }
0x51: {  	_ =	shalt  }
0x52: {  	_ =	shalt  }
0x53: {  	_ =	shalt  }
0x54: {  	_ =	shalt  }
0x55: {  	_ =	shalt  }
0x56: {  	_ =	shalt  }
0x57: {  	_ =	shalt  }
0x58: {  	_ =	shalt  }
0x59: {  	_ =	shalt  }
0x5a: {  	_ =	shalt  }
0x5b: {  	_ =	shalt  }
0x5c: {  	_ =	shalt  }
0x5d: {  	_ =	shalt  }
0x5e: {  	_ =	shalt  }
0x5f: {  	_ =	shalt  }
0x60: {  	_ =	shalt  }
0x61: {  	_ =	shalt  }
0x62: {  	_ =	shalt  }
0x63: {  	_ =	shalt  }
0x64: {  	_ =	shalt  }
0x65: {  	_ =	shalt  }
0x66: {  	_ =	shalt  }
0x67: {  	_ =	shalt  }
0x68: {  	_ =	shalt  }
0x69: {  	_ =	shalt  }
0x6a: {  	_ =	shalt  }
0x6b: {  	_ =	shalt  }
0x6c: {  	_ =	shalt  }
0x6d: {  	_ =	shalt  }
0x6e: {  	_ =	shalt  }
0x6f: {  	_ =	shalt  }
0x70: {  	_ =	shalt  }
0x71: {  	_ =	shalt  }
0x72: {  	_ =	shalt  }
0x73: {  	_ =	shalt  }
0x74: {  	_ =	shalt  }
0x75: {  	_ =	shalt  }
0x76: {  	_ =	shalt  }
0x77: {  	_ =	shalt  }
0x78: {  	_ =	shalt  }
0x79: {  	_ =	shalt  }
0x7a: {  	_ =	shalt  }
0x7b: {  	_ =	shalt  }
0x7c: {  	_ =	shalt  }
0x7d: {  	_ =	shalt  }
0x7e: {  	_ =	shalt  }
0x7f: {  	_ =	shalt  }
0x80: {  	_ =	shalt  }
0x81: {  	_ =	shalt  }
0x82: {  	_ =	shalt  }
0x83: {  	_ =	shalt  }
0x84: {  	_ =	shalt  }
0x85: {  	_ =	shalt  }
0x86: {  	_ =	shalt  }
0x87: {  	_ =	shalt  }
.Lfunc_end0:
.L_simem_size_0:
called_computation.2_lowered:
.L_overlay_start_0:
0x88: {  	s2 =	sld [smem:$0x3FD9]  }
0x89: {  	s3 =	sld [smem:$0x3FFE];
	_ =	sdelay $0x1  }
0x8a: {  	s1 =	srdreg.scid  }
0x8b: {  	s0 =	sand.u32 $0x1, s1  }
0x8c: {  	s14 =	sshll.u32 s0, $0xA;
	s2 =	sadd.s32 s3, s2  }
0x8d: {  	s2 =	sadd.s32 s2, s14  }
0x8e: {  	[smem:$0x3FC0] =	sst s2  }
0x8f: {  	_ = 	snop  }
0x90: {  	s2 =	sld [smem:$0x3FD0];
	_ =	sdelay $0x2  }
0x91: {  	s15 =	simm.s32 $0xA;
	s4 =	simm.s32 $0x10  }
0x92: {  	[smem:s4], [sflag:s15] =	dma.local [hbm:s2], $0x1  }
0x93: {  	_ =	swait.eq [sflag:s15], $0x1  }
0x94: {  	[sflag:s15] =	ssyncset.done $0x0  }
0x95: {  	[sflag:s15] =	ssyncadd.s32 $0xFFFFFFFF  }
0x96: {  	s16 =	sld [smem:$0x10];
	(tm) =	ssettm $0x1  }
0x97: {  	s17 =	sld [smem:$0x3FFB];
	_ =	sdelay $0x3  }
0x98: {  	_ =	strace s17  }
0x99: {  	s3 =	sld [smem:$0x3FFC];
	_ =	sdelay $0x3  }
0x9a: {  	_ =	strace s3  }
0x9b: {  	s3 =	sld [smem:$0x3FFD];
	_ =	sdelay $0x3  }
0x9c: {  	_ =	strace s3  }
0x9d: {  	_ =	strace $0x8FFFFFFF  }
0x9e: {  	s18 =	sld [smem:$0x3FDB];
	_ =	sdelay $0x1  }
0x9f: {  	s19 =	simm.s32 $_scs_section_size  }
0xa0: {  	s5 =	simm.s32 $_size__tile_overlayer_lowered;
	s6 =	simm.s32 $_tile_overlayer_lowered  }
0xa1: {  	s22 =	simm.s32 $0x1BFF;
	s21 =	sshll.u32 s6, $0x1;
	s3 =	sadd.s32 s19, s18  }
0xa2: {  	s7 =	simm.s32 $0x0;
	s20 =	sshll.u32 s5, $0x1;
	s5 =	sadd.s32 s21, s3  }
0xa3: {  	[timem:s7], [sflag:s22] =	dma.local [hbm:s5], s20  }
0xa4: {  	_ =	swait.ge [sflag:s22], s20  }
0xa5: {  	s4 =	ssub.s32 $0x0, s20;
	[sflag:s22] =	ssyncset.done $0x0  }
0xa6: {  	[sflag:s22] =	ssyncadd.s32 s4;
	_ =	sdelay $0x1  }
0xa7: {  	s23 =	simm.s32 $0x1B8B  }
0xa8: {  	_ =	swait.ge [sflag:s23], $0x1  }
0xa9: {  	[sflag:s23] =	ssyncset.done $0x0  }
0xaa: {  	s25 =	simm.s32 $0x1B8E;
	s24 =	sld [smem:$0x3FFE];
	[sflag:s23] =	ssyncadd.s32 $0xFFFFFFFF  }
0xab: {  	s26 =	simm.s32 $execute0_lowered;
	[smem:$0x3FD2] =	sst s25  }
0xac: {  	s5 =	sshll.u32 s26, $0x1;
	_ =	strace $0x8000004C;
	[dreg:$0x1] =	wrdreg $0xFFFFFFFF  }
0xad: {  	s28 =	simm.s32 $_size_execute0_lowered;
	s3 =	sadd.s32 s3, s5;
	[dreg:$0x0] =	wrdreg $0x0  }
0xae: {  	s5 =	sshll.u32 s28, $0x1;
	[dreg:$0x2] =	wrdreg s3  }
0xaf: {  	[dreg:$0x3] =	wrdreg s5  }
0xb0: {  	[dreg:$0x4] =	wrdreg $0xC0  }
0xb1: {  	_ =	task [dreg:s7], $0x5FFFF  }
0xb2: {  	[dreg:$0x1] =	wrdreg $0xFFFFFFFF  }
0xb3: {  	[dreg:$0x0] =	wrdreg $0x60  }
0xb4: {  	[dreg:$0x2] =	wrdreg s24  }
0xb5: {  	[dreg:$0x3] =	wrdreg s16  }
0xb6: {  	[dreg:$0x4] =	wrdreg $0xA8000  }
0xb7: {  	[dreg:$0x5] =	wrdreg $0x9  }
0xb8: {  	_ =	task.clear_ibuf [dreg:s7], $0x6FFFF;
	_ =	strace $0x9000004C  }
0xb9: {  	s29 =	simm.s32 $0x9;
	_ =	strace $0x8000004E  }
0xba: {  	_ =	swait.ge [sflag:s29], $0x1  }
0xbb: {  	[sflag:s29] =	ssyncadd.s32 $0xFFFFFFFF  }
0xbc: {  	_ =	strace $0x9000004E  }
0xbd: {  	_ =	sfence  }
0xbe: {  	s30 =	sld [smem:$0x0];
	_ =	sdelay $0x2  }
0xbf: {  	s31 =	sshll.u32 s1, $0xD;
	s1 =	sshrl.u32 s1, $0x2  }
0xc0: {  	s3 =	sand.u32 $0x4000, s31;
	s1 =	sadd.s32 s1, s30  }
0xc1: {  	s0 =	sor.u32 s3, s0;
	s1 =	sshll.u32 s1, $0x11  }
0xc2: {  	s0 =	sor.u32 s1, s0  }
0xc3: {  	s0 =	sadd.s32 $0x8F2B, s0  }
0xc4: {  	[sflag:s0] =	ssyncadd.remote.s32 $0x1  }
0xc5: {  	_ =	sfence.sel $0xFFFF  }
0xc6: {  	[dreg:$0x0] =	wrdreg $0xFFFFFFFF;
	(pc) =	sbr.abs _section_cstart, $3  }
0xc7: {  	[dreg:$0x1] =	wrdreg $0xFFFFFFFF  }
0xc8: {  	_ =	task.clear_ibuf [dreg:s7], $0x2FFFF;
	_ =	strace $0x9FFFFFFF  }
0xc9: {  	(tm) =	ssettm $0x7FFFFFFF  }
tec
execute0_lowered:
.L_overlay_start_1:
0x0: {  	(tag) =	ssettag $0x1  }
0x1: {  	s8 =	rddreg [dreg:$0x0]  }
0x2: {  	s1 =	rddreg [dreg:$0x1]  }
0x3: {  	s2 =	rddreg [dreg:$0x2]  }
0x4: {  	s3 =	srdreg.scid;
	s0 =	rddreg [dreg:$0x3];
	s4 =	simm.s32 $0x0  }
0x5: {  	s16 =	simm.s32 $0x1400;
	s17 =	simm.s32 $0x80;
	s18 =	simm.s32 $0x2800  }
0x6: {  	s19 =	simm.s32 $0x1;
	s20 =	simm.s32 $0x6800;
	s21 =	simm.s32 $0x2  }
0x7: {  	s22 =	simm.s32 $0x3;
	s23 =	simm.s32 $0x100;
	s24 =	simm.s32 $0x1480  }
0x8: {  	s25 =	simm.s32 $0x4;
	s10 =	sand.u32 $0x1, s3;
	s3 =	stileid.u32  }
0x9: {  	s26 =	simm.s32 $0x0;
	[smem:$0x7FF] =	sst s4;
	s7 =	smul.u32 $0x140000, s10  }
0xa: {  	s5 =	sadd.s32 $0x18800, s8;
	s6 =	sadd.s32 $0xC000, s8;
	s9 =	smul.u32 $0x14000, s3  }
0xb: {  	_ =	strace $0x8000004D;
	s11 =	ssub.s32 $0x2, s10;
	s12 =	smul.u32 $0x50000, s3  }
0xc: {  	s31 =	sshll.u32 s3, $0x6;
	s10 =	smul.u32 $0x50000, s10;
	s13 =	sshrl.u32 s11, $0x1  }
.Ltmp0:
0xd: {  	s9 =	sadd.s32 s9, s7;
	s7 =	sadd.s32 $0x16000, s8;
	(pc) =	sbr.rel .LBB2_1-.Ltmp0, $4  }
0xe: {  	s13 =	ssub.s32 s11, s13;
	s30 =	sshrl.u32 s12, $0x2;
	s9 =	sshrl.u32 s9, $0x3  }
0xf: {  	s15 =	sadd.s32 s30, s2;
	s12 =	smax.u32 s13, $0x1;
	s14 =	sadd.s32 s9, s8  }
0x10: {  	s8 =	smul.u32 $0xA0, s3;
	s9 =	sor.u32 $0x1C05, s31;
	s13 =	sshrl.u32 s15, $0x3  }
0x11: {  	s15 =	simm.s32 $0x6;
	s11 =	sadd.s32 $0x66A00, s14;
	s14 =	simm.s32 $0x5  }
.LBB2_6:
0x12: {  	s26 =	sadd.s32 $0x1, s26  }
0x13: {  	p0 =	sne.s32 s26, s12  }
.Ltmp1:
0x14: {  	[bflag:$0x0] =	sbarrier.arrive $0xFFFF;
	(pc) =	sbr.rel @!p0 .LBB2_7-.Ltmp1, $4  }
0x15: {  	[hbm:s11], [sflag:s9] =	dma.local [spmem:s13], $0x2800  }
0x16: {  	_ =	swait.ge [sflag:s14], $0x2800  }
0x17: {  	[sflag:s14] =	ssyncset.done $0x0  }
0x18: {  	[sflag:s14] =	ssyncadd.s32 $0xFFFFD800  }
.LBB2_1:
0x19: {  	[spmem:s13], [sflag:s9] =	dma.local [hbm:s7], $0x2800  }
.Ltmp2:
0x1a: {  	_ =	swait.ge [sflag:s14], $0x2800;
	(pc) =	sbr.rel .LBB2_2-.Ltmp2, $4  }
0x1b: {  	[sflag:s14] =	ssyncset.done $0x0  }
0x1c: {  	[sflag:s14] =	ssyncadd.s32 $0xFFFFD800  }
0x1d: {  	[bflag:$0x0] =	sbarrier.arrive $0xFFFF  }
0x1e: {  	s28 =	simm.s32 $0x0  }
.LBB2_5:
0x1f: {  	s28 =	sadd.s32 $0x1, s28  }
0x20: {  	p0 =	sne.s32 s28, $0x4  }
.Ltmp3:
0x21: {  	_ = 	snop;
	(pc) =	sbr.rel @!p0 .LBB2_6-.Ltmp3, $4  }
0x22: {  	[spmem:s2] =	stream.indirect.scatter.add.f32 [tilespmem:s20], [sflag:$0x4], $0x80, s31, s17, $0xb8;
	[tilespmem:$0x1E800] =	vst v63  }
0x23: {  	_ =	swait.ge [sflag:s25], $0x4000  }
0x24: {  	[sflag:s25] =	ssyncset.done $0x0  }
0x25: {  	[sflag:s25] =	ssyncadd.s32 $0xFFFFC000  }
.LBB2_2:
0x26: {  	s29 =	smul.u32 $0x28, s28;
	_ =	sdelay $0x1  }
0x27: {  	s29 =	sadd.s32 s8, s29  }
0x28: {  	s30 =	sshll.u32 s29, $0x7  }
0x29: {  	s30 =	sadd.s32 s10, s30  }
0x2a: {  	s30 =	sshrl.u32 s30, $0x3  }
0x2b: {  	s30 =	sadd.s32 s1, s30  }
0x2c: {  	[tilespmem:s4], [sflag:$0x6] =	stream.linear.gather [hbm4b:s30+s4], $0x1400, $0x38;
	[tilespmem:$0x1E800] =	vst v63  }
0x2d: {  	_ =	swait.ge [sflag:s15], $0x1400  }
0x2e: {  	s29 =	sshll.u32 s29, $0x4;
	[sflag:s15] =	ssyncset.done $0x0  }
0x2f: {  	s29 =	sadd.s32 s6, s29;
	[sflag:s15] =	ssyncadd.s32 $0xFFFFEC00  }
0x30: {  	[tilespmem:s16], [sflag:$0x6] =	stream.linear.gather [hbm4b:s29+s4], $0x1400, $0x38;
	[tilespmem:$0x1E800] =	vst v63  }
0x31: {  	_ =	swait.ge [sflag:s15], $0x1400  }
0x32: {  	[sflag:s15] =	ssyncset.done $0x0  }
0x33: {  	[sflag:s15] =	ssyncadd.s32 $0xFFFFEC00  }
0x34: {  	[tilespmem:s18], [sflag:$0x1] =	stream.indirect.gather [hbm4b:s5+s17], $0x80, s4, s17, $0xb8;
	[tilespmem:$0x1E800] =	vst v63  }
0x35: {  	_ =	swait.ge [sflag:s19], $0x4000  }
0x36: {  	[sflag:s19] =	ssyncset.done $0x0  }
0x37: {  	[sflag:s19] =	ssyncadd.s32 $0xFFFFC000  }
0x38: {  	[tilespmem:s20], [sflag:$0x2] =	stream.indirect.gather [hbm4b:s5+s17], $0x80, s17, s17, $0xb8;
	[tilespmem:$0x1E800] =	vst v63  }
0x39: {  	_ = 	snop  }
0x3a: {  	[spmem:s2] =	stream.indirect.scatter.add.f32 [tilespmem:s18], [sflag:$0x3], $0x80, s16, s17, $0xb8;
	[tilespmem:$0x1E800] =	vst v63  }
0x3b: {  	_ =	swait.ge [sflag:s21], $0x4000  }
0x3c: {  	[sflag:s21] =	ssyncset.done $0x0  }
0x3d: {  	[sflag:s21] =	ssyncadd.s32 $0xFFFFC000  }
0x3e: {  	_ =	swait.ge [sflag:s22], $0x4000  }
0x3f: {  	[sflag:s22] =	ssyncset.done $0x0  }
0x40: {  	[sflag:s22] =	ssyncadd.s32 $0xFFFFC000  }
0x41: {  	[tilespmem:s18], [sflag:$0x1] =	stream.indirect.gather [hbm4b:s5+s17], $0x80, s23, s17, $0xb8;
	[tilespmem:$0x1E800] =	vst v63  }
0x42: {  	s29 =	simm.s32 $0xFFFFB800  }
0x43: {  	[spmem:s2] =	stream.indirect.scatter.add.f32 [tilespmem:s20], [sflag:$0x4], $0x80, s24, s17, $0xb8;
	[tilespmem:$0x1E800] =	vst v63  }
.LBB2_3:
0x44: {  	_ =	swait.ge [sflag:s19], $0x4000  }
0x45: {  	[sflag:s19] =	ssyncset.done $0x0  }
0x46: {  	[sflag:s19] =	ssyncadd.s32 $0xFFFFC000  }
0x47: {  	_ =	swait.ge [sflag:s25], $0x4000  }
0x48: {  	s30 =	sshra.s32 s29, $0x2;
	[sflag:s25] =	ssyncset.done $0x0  }
0x49: {  	s31 =	sadd.s32 $0x1380, s30;
	[sflag:s25] =	ssyncadd.s32 $0xFFFFC000  }
0x4a: {  	[tilespmem:s20], [sflag:$0x2] =	stream.indirect.gather [hbm4b:s5+s17], $0x80, s31, s17, $0xb8;
	[tilespmem:$0x1E800] =	vst v63  }
0x4b: {  	s31 =	sadd.s32 $0x2700, s30  }
0x4c: {  	[spmem:s2] =	stream.indirect.scatter.add.f32 [tilespmem:s18], [sflag:$0x3], $0x80, s31, s17, $0xb8;
	[tilespmem:$0x1E800] =	vst v63  }
0x4d: {  	p0 =	seq.s32 s29, $0x0;
	_ =	swait.ge [sflag:s21], $0x4000  }
.Ltmp4:
0x4e: {  	[sflag:s21] =	ssyncset.done $0x0;
	(pc) =	sbr.rel @p0 .LBB2_5-.Ltmp4, $4  }
0x4f: {  	[sflag:s21] =	ssyncadd.s32 $0xFFFFC000  }
0x50: {  	_ =	swait.ge [sflag:s22], $0x4000  }
0x51: {  	[sflag:s22] =	ssyncset.done $0x0  }
0x52: {  	s31 =	sadd.s32 $0x2780, s30;
	[sflag:s22] =	ssyncadd.s32 $0xFFFFC000  }
.Ltmp5:
0x53: {  	(pc) =	sbr.rel .LBB2_3-.Ltmp5, $4  }
0x54: {  	s30 =	sadd.s32 $0x1400, s30  }
0x55: {  	[tilespmem:s18], [sflag:$0x1] =	stream.indirect.gather [hbm4b:s5+s17], $0x80, s30, s17, $0xb8;
	[tilespmem:$0x1E800] =	vst v63  }
0x56: {  	s29 =	sadd.s32 $0x400, s29  }
0x57: {  	[spmem:s2] =	stream.indirect.scatter.add.f32 [tilespmem:s20], [sflag:$0x4], $0x80, s31, s17, $0xb8;
	[tilespmem:$0x1E800] =	vst v63  }
.LBB2_7:
0x58: {  	_ =	sfence.sel $0x180000  }
0x59: {  	[bflag:$0x0] =	sbarrier.arrive $0xFFFF  }
0x5a: {  	p0 =	sne.s32 s3, $0x0;
	_ =	strace $0x9000004D  }
0x5b: {  	s0 =	sadd.s32 @!p0 $0x100000, s0;
	[bflag:$0x2] =	sbarrier.arrive $0xFFFF  }
0x5c: {  	[sflag:s0] =	ssyncadd.tile.s32 @!p0 $0x1;
	_ =	shalt  }
.Lfunc_end2:
_tile_overlayer_lowered:
.L_overlay_start_2:
0x5d: {  	(tag) =	ssettag $0x2  }
0x5e: {  	s0 =	rddreg [dreg:$0x0];
	s2 =	stileid.u32  }
0x5f: {  	s1 =	rddreg [dreg:$0x1];
	p0 =	sne.s32 s2, $0x0  }
0x60: {  	s3 =	rddreg [dreg:$0x2];
	[bflag:$0x3] =	sbarrier.arrive $0xFFFF;
	s2 =	simm.s32 @!p0 $0x1C06  }
0x61: {  	[timem:s3], [sflag:s2] =	dma.local @!p0 [hbm:s0], s1  }
0x62: {  	s0 =	simm.s32 @!p0 $0x6  }
0x63: {  	_ =	swait.ge @!p0 [sflag:s0], s1  }
0x64: {  	s1 =	ssub.s32 @!p0 $0x0, s1;
	[sflag:s0] =	ssyncset.done @!p0 $0x0  }
0x65: {  	[sflag:s0] =	ssyncadd.s32 @!p0 s1  }
0x66: {  	[bflag:$0x3] =	sbarrier.arrive $0xFFFF  }
0x67: {  	_ =	shalt  }

// kernel: kernel.8.cloned.1.call-start
scs
__scs_entry_jumppad:
0x0: {  	(pc) =	sbr.rel $0x88, $3  }
0x1: {  	(tag) =	ssettag $0x0;
	lr =	simm.s32 $0x1  }
0x2: {  	[smem:$0x3F99] =	sst lr;
	_ =	strace $0xD0000000  }
0x3: {  	_ = 	snop  }
0x4: {  	_ = 	snop  }
0x5: {  	_ = 	snop  }
0x6: {  	_ = 	snop  }
0x7: {  	_ = 	snop  }
__scs_overlays_trampoline_lowered:
0x8: {  	[smem:$0x3FA8] =	sst s0  }
0x9: {  	[smem:$0x3FA9] =	sst s1  }
0xa: {  	[smem:$0x3FAA] =	sst s2  }
0xb: {  	[smem:$0x3FAB] =	sst s3  }
0xc: {  	[smem:$0x3FAC] =	sst s4  }
0xd: {  	[smem:$0x3FAD] =	sst s5  }
0xe: {  	[smem:$0x3FAE] =	sst s6  }
0xf: {  	[smem:$0x3FAF] =	sst s7  }
0x10: {  	[smem:$0x3FB0] =	sst s8  }
0x11: {  	[smem:$0x3FB1] =	sst s9;
	s0 =	simm.s32 @!p0 $0x0  }
0x12: {  	s1 =	sld [smem:$0x3F97];
	s0 =	simm.s32 @p0 $0x1  }
0x13: {  	[smem:$0x3FB2] =	sst s0;
	s0 =	simm.s32 @!p1 $0x0  }
0x14: {  	s2 =	sld [smem:$0x3F96];
	s0 =	simm.s32 @p1 $0x1  }
0x15: {  	[smem:$0x3FB3] =	sst s0;
	s0 =	simm.s32 @!p2 $0x0  }
0x16: {  	s3 =	sld [smem:$0x3FDB];
	s0 =	simm.s32 @p2 $0x1  }
0x17: {  	s4 =	simm.s32 $0x1BF5;
	[smem:$0x3FB5] =	sst s0  }
0x18: {  	s0 =	sld [smem:$0x3F98];
	_ =	swait.ge [sflag:s4], $0x0  }
0x19: {  	s7 =	sld [smem:$0x3F99]  }
0x1a: {  	s8 =	sadd.s32 $0xFFFFE003, lr  }
0x1b: {  	s9 =	sadd.s32 $0xFFFFFEF7, lr;
	s5 =	simm.s32 $0xFFFFFFFF;
	p2 =	slt.u32 s8, $0xFFFFF086  }
0x1c: {  	p1 =	slt.u32 s9, $0xF7A;
	s5 =	simm.s32 @!p2 $0x0  }
0x1d: {  	s5 =	simm.s32 @p1 $0x1;
	p0 =	seq.s32 s7, s2  }
0x1e: {  	s7 =	smul.u32 @!p0 $0xF7A, s2;
	p2 =	seq.s32 @!p0 s5, $0x0  }
0x1f: {  	s9 =	smul.u32 $0xF7A, s1;
	s8 =	simm.s32 @!p0 $0x1BF5;
	p2 =	por !p2, p0  }
0x20: {  	[sflag:s8] =	ssyncset.s32 @!p0 $0xFFFFF086;
	s6 =	sadd.s32 @!p0 s3, s7;
	s7 =	simm.s32 @!p0 $0x108  }
0x21: {  	s3 =	sadd.s32 s3, s9;
	s6 =	sadd.s32 @!p0 $0x88, s6;
	s7 =	simm.s32 @p2 $0x1082  }
0x22: {  	[simem:s7], [sflag:s8] =	dma.local @!p0 [hbm:s6], $0xF7A  }
0x23: {  	s9 =	sor.u32 $0xD0000000, s2;
	s6 =	simm.s32 $0x108;
	_ =	swait.ge @!p0 [sflag:s8], $0x0  }
0x24: {  	s3 =	sadd.s32 $0x88, s3;
	s6 =	simm.s32 @!p1 $0x1082;
	[sflag:s4] =	ssyncset.s32 $0xFFFFF086  }
0x25: {  	[simem:s6], [sflag:s4] =	dma.local [hbm:s3], $0xF7A  }
0x26: {  	[smem:$0x3F99] =	sst s1;
	(tag) =	ssettag s2;
	_ =	strace s9  }
0x27: {  	s1 =	sld [smem:$0x3FA9]  }
0x28: {  	s2 =	sld [smem:$0x3FAA]  }
0x29: {  	s4 =	sld [smem:$0x3FAC]  }
0x2a: {  	p0 =	seq.s32 s5, $0x0;
	s5 =	sld [smem:$0x3FAD]  }
0x2b: {  	s6 =	sld [smem:$0x3FAE]  }
0x2c: {  	s7 =	sld [smem:$0x3FAF]  }
0x2d: {  	s3 =	simm.s32 $0x108;
	s8 =	sld [smem:$0x3FB0]  }
0x2e: {  	s3 =	simm.s32 @!p0 $0x1082;
	s9 =	sld [smem:$0x3FB1]  }
0x2f: {  	lr =	sadd.s32 s0, s3;
	s0 =	sld [smem:$0x3FA8]  }
0x30: {  	s3 =	sld [smem:$0x3FAB]  }
0x31: {  	[smem:$0x3FB4] =	sst s10  }
0x32: {  	s10 =	sld [smem:$0x3FB2];
	_ =	sdelay $0x3  }
0x33: {  	p0 =	seq.s32 s10, $0x1;
	s10 =	sld [smem:$0x3FB4];
	_ =	sdelay $0x3  }
0x34: {  	[smem:$0x3FB4] =	sst s10  }
0x35: {  	s10 =	sld [smem:$0x3FB3];
	_ =	sdelay $0x3  }
0x36: {  	p1 =	seq.s32 s10, $0x1;
	s10 =	sld [smem:$0x3FB4];
	_ =	sdelay $0x3  }
0x37: {  	[smem:$0x3FB4] =	sst s10  }
0x38: {  	s10 =	sld [smem:$0x3FB5]  }
0x39: {  	_ = 	snop;
	(pc) =	sbr.ind lr, $3  }
0x3a: {  	_ = 	snop  }
0x3b: {  	_ = 	snop  }
0x3c: {  	p2 =	seq.s32 s10, $0x1;
	s10 =	sld [smem:$0x3FB4]  }
0x3d: {  	_ =	shalt  }
0x3e: {  	_ =	shalt  }
0x3f: {  	_ =	shalt  }
0x40: {  	_ =	shalt  }
0x41: {  	_ =	shalt  }
0x42: {  	_ =	shalt  }
0x43: {  	_ =	shalt  }
0x44: {  	_ =	shalt  }
0x45: {  	_ =	shalt  }
0x46: {  	_ =	shalt  }
0x47: {  	_ =	shalt  }
0x48: {  	_ =	shalt  }
0x49: {  	_ =	shalt  }
0x4a: {  	_ =	shalt  }
0x4b: {  	_ =	shalt  }
0x4c: {  	_ =	shalt  }
0x4d: {  	_ =	shalt  }
0x4e: {  	_ =	shalt  }
0x4f: {  	_ =	shalt  }
0x50: {  	_ =	shalt  }
0x51: {  	_ =	shalt  }
0x52: {  	_ =	shalt  }
0x53: {  	_ =	shalt  }
0x54: {  	_ =	shalt  }
0x55: {  	_ =	shalt  }
0x56: {  	_ =	shalt  }
0x57: {  	_ =	shalt  }
0x58: {  	_ =	shalt  }
0x59: {  	_ =	shalt  }
0x5a: {  	_ =	shalt  }
0x5b: {  	_ =	shalt  }
0x5c: {  	_ =	shalt  }
0x5d: {  	_ =	shalt  }
0x5e: {  	_ =	shalt  }
0x5f: {  	_ =	shalt  }
0x60: {  	_ =	shalt  }
0x61: {  	_ =	shalt  }
0x62: {  	_ =	shalt  }
0x63: {  	_ =	shalt  }
0x64: {  	_ =	shalt  }
0x65: {  	_ =	shalt  }
0x66: {  	_ =	shalt  }
0x67: {  	_ =	shalt  }
0x68: {  	_ =	shalt  }
0x69: {  	_ =	shalt  }
0x6a: {  	_ =	shalt  }
0x6b: {  	_ =	shalt  }
0x6c: {  	_ =	shalt  }
0x6d: {  	_ =	shalt  }
0x6e: {  	_ =	shalt  }
0x6f: {  	_ =	shalt  }
0x70: {  	_ =	shalt  }
0x71: {  	_ =	shalt  }
0x72: {  	_ =	shalt  }
0x73: {  	_ =	shalt  }
0x74: {  	_ =	shalt  }
0x75: {  	_ =	shalt  }
0x76: {  	_ =	shalt  }
0x77: {  	_ =	shalt  }
0x78: {  	_ =	shalt  }
0x79: {  	_ =	shalt  }
0x7a: {  	_ =	shalt  }
0x7b: {  	_ =	shalt  }
0x7c: {  	_ =	shalt  }
0x7d: {  	_ =	shalt  }
0x7e: {  	_ =	shalt  }
0x7f: {  	_ =	shalt  }
0x80: {  	_ =	shalt  }
0x81: {  	_ =	shalt  }
0x82: {  	_ =	shalt  }
0x83: {  	_ =	shalt  }
0x84: {  	_ =	shalt  }
0x85: {  	_ =	shalt  }
0x86: {  	_ =	shalt  }
0x87: {  	_ =	shalt  }
.Lfunc_end0:
.L_simem_size_0:
called_computation_lowered:
.L_overlay_start_0:
0x88: {  	s2 =	sld [smem:$0x3FD9]  }
0x89: {  	s3 =	sld [smem:$0x3FFE];
	_ =	sdelay $0x1  }
0x8a: {  	s1 =	srdreg.scid  }
0x8b: {  	s0 =	sand.u32 $0x1, s1  }
0x8c: {  	s14 =	sshll.u32 s0, $0xA;
	s2 =	sadd.s32 s3, s2  }
0x8d: {  	s2 =	sadd.s32 s2, s14  }
0x8e: {  	[smem:$0x3FC0] =	sst s2  }
0x8f: {  	_ = 	snop  }
0x90: {  	s2 =	sld [smem:$0x3FD0];
	_ =	sdelay $0x2  }
0x91: {  	s15 =	simm.s32 $0xA;
	s4 =	simm.s32 $0x10  }
0x92: {  	[smem:s4], [sflag:s15] =	dma.local [hbm:s2], $0x1  }
0x93: {  	_ =	swait.eq [sflag:s15], $0x1  }
0x94: {  	[sflag:s15] =	ssyncset.done $0x0  }
0x95: {  	[sflag:s15] =	ssyncadd.s32 $0xFFFFFFFF  }
0x96: {  	s16 =	sld [smem:$0x11];
	(tm) =	ssettm $0x1  }
0x97: {  	s17 =	sld [smem:$0x3FFB];
	_ =	sdelay $0x3  }
0x98: {  	_ =	strace s17  }
0x99: {  	s3 =	sld [smem:$0x3FFC];
	_ =	sdelay $0x3  }
0x9a: {  	_ =	strace s3  }
0x9b: {  	s3 =	sld [smem:$0x3FFD];
	_ =	sdelay $0x3  }
0x9c: {  	_ =	strace s3  }
0x9d: {  	_ =	strace $0x8FFFFFFF  }
0x9e: {  	s18 =	sld [smem:$0x3FDB];
	_ =	sdelay $0x1  }
0x9f: {  	s19 =	simm.s32 $_scs_section_size  }
0xa0: {  	s5 =	simm.s32 $_size__tile_overlayer_lowered;
	s6 =	simm.s32 $_tile_overlayer_lowered  }
0xa1: {  	s22 =	simm.s32 $0x1BFF;
	s21 =	sshll.u32 s6, $0x1;
	s3 =	sadd.s32 s19, s18  }
0xa2: {  	s7 =	simm.s32 $0x0;
	s20 =	sshll.u32 s5, $0x1;
	s5 =	sadd.s32 s21, s3  }
0xa3: {  	[timem:s7], [sflag:s22] =	dma.local [hbm:s5], s20  }
0xa4: {  	_ =	swait.ge [sflag:s22], s20  }
0xa5: {  	s4 =	ssub.s32 $0x0, s20;
	[sflag:s22] =	ssyncset.done $0x0  }
0xa6: {  	[sflag:s22] =	ssyncadd.s32 s4;
	_ =	sdelay $0x1  }
0xa7: {  	s23 =	simm.s32 $0x1B8B  }
0xa8: {  	_ =	swait.ge [sflag:s23], $0x1  }
0xa9: {  	[sflag:s23] =	ssyncset.done $0x0  }
0xaa: {  	s25 =	simm.s32 $0x1B8E;
	s24 =	sld [smem:$0x3FFE];
	[sflag:s23] =	ssyncadd.s32 $0xFFFFFFFF  }
0xab: {  	s26 =	simm.s32 $execute0_lowered;
	[smem:$0x3FD2] =	sst s25  }
0xac: {  	s5 =	sshll.u32 s26, $0x1;
	_ =	strace $0x80000046;
	[dreg:$0x1] =	wrdreg $0xFFFFFFFF  }
0xad: {  	s28 =	simm.s32 $_size_execute0_lowered;
	s3 =	sadd.s32 s3, s5;
	[dreg:$0x0] =	wrdreg $0x0  }
0xae: {  	s5 =	sshll.u32 s28, $0x1;
	[dreg:$0x2] =	wrdreg s3  }
0xaf: {  	[dreg:$0x3] =	wrdreg s5  }
0xb0: {  	[dreg:$0x4] =	wrdreg $0xC0  }
0xb1: {  	_ =	task [dreg:s7], $0x5FFFF  }
0xb2: {  	[dreg:$0x1] =	wrdreg $0xFFFFFFFF  }
0xb3: {  	[dreg:$0x0] =	wrdreg $0x60  }
0xb4: {  	[dreg:$0x2] =	wrdreg s24  }
0xb5: {  	[dreg:$0x3] =	wrdreg s16  }
0xb6: {  	[dreg:$0x4] =	wrdreg $0x9  }
0xb7: {  	_ =	task.clear_ibuf [dreg:s7], $0x5FFFF;
	_ =	strace $0x90000046  }
0xb8: {  	s29 =	simm.s32 $0x9;
	_ =	strace $0x80000048  }
0xb9: {  	_ =	swait.ge [sflag:s29], $0x1  }
0xba: {  	[sflag:s29] =	ssyncadd.s32 $0xFFFFFFFF  }
0xbb: {  	_ =	strace $0x90000048  }
0xbc: {  	_ =	sfence  }
0xbd: {  	s30 =	sld [smem:$0x0];
	_ =	sdelay $0x2  }
0xbe: {  	s31 =	sshll.u32 s1, $0xD;
	s1 =	sshrl.u32 s1, $0x2  }
0xbf: {  	s3 =	sand.u32 $0x4000, s31;
	s1 =	sadd.s32 s1, s30  }
0xc0: {  	s0 =	sor.u32 s3, s0;
	s1 =	sshll.u32 s1, $0x11  }
0xc1: {  	s0 =	sor.u32 s1, s0  }
0xc2: {  	s0 =	sadd.s32 $0x8F2B, s0  }
0xc3: {  	[sflag:s0] =	ssyncadd.remote.s32 $0x1  }
0xc4: {  	_ =	sfence.sel $0xFFFF  }
0xc5: {  	[dreg:$0x0] =	wrdreg $0xFFFFFFFF;
	(pc) =	sbr.abs _section_cstart, $3  }
0xc6: {  	[dreg:$0x1] =	wrdreg $0xFFFFFFFF  }
0xc7: {  	_ =	task.clear_ibuf [dreg:s7], $0x2FFFF;
	_ =	strace $0x9FFFFFFF  }
0xc8: {  	(tm) =	ssettm $0x7FFFFFFF  }
0xc9: {  	_ =	shalt  }
tec
execute0_lowered:
.L_overlay_start_1:
0x0: {  	(tag) =	ssettag $0x1  }
0x1: {  	s0 =	srdreg.scid  }
0x2: {  	s4 =	rddreg [dreg:$0x0];
	s3 =	sand.u32 $0x1, s0  }
0x3: {  	s5 =	rddreg [dreg:$0x1];
	s0 =	stileid.u32;
	s1 =	sshll.u32 s3, $0x4  }
0x4: {  	s2 =	simm.s32 $0x0;
	s9 =	simm.s32 $0x400;
	s6 =	sor.u32 s0, s1  }
0x5: {  	s10 =	simm.s32 $0x0;
	[smem:$0x7FF] =	sst s2;
	s7 =	sshrl.u32 s6, $0x3  }
0x6: {  	s8 =	sshll.u32 s0, $0x7;
	s3 =	ssub.s32 $0x2, s3;
	s7 =	smul.u32 $0x14000, s7  }
0x7: {  	s1 =	rddreg [dreg:$0x2];
	s8 =	sand.u32 $0x380, s8;
	s6 =	smul.u32 $0x500, s6  }
0x8: {  	_ =	strace $0x80000047;
	s31 =	sshrl.u32 s3, $0x1;
	s7 =	sor.u32 s8, s7  }
0x9: {  	s4 =	sadd.s32 s6, s4;
	s6 =	ssub.s32 s3, s31;
	s7 =	sshrl.u32 s7, $0x3  }
0xa: {  	s3 =	sadd.s32 $0xC000, s4;
	s8 =	simm.s32 $0x80;
	s4 =	sadd.s32 s5, s7  }
0xb: {  	v0 =	vimm.f32 $0.0e+00;
	v1 =	vimm.f32 $1.000000000e+00;
	s5 =	smax.u32 s6, $0x1;
	s6 =	simm.s32 $0x1;
	s7 =	simm.s32 $0x2800  }
.LBB2_1:
0xc: {  	[tilespmem:s2], [sflag:$0x1] =	stream.linear.gather [hbm4b:s3+s2], $0x2800, $0x38;
	[tilespmem:$0x5000] =	vst v63  }
0xd: {  	_ =	swait.ge [sflag:s6], $0x2800  }
0xe: {  	[sflag:s6] =	ssyncset.done $0x0  }
0xf: {  	s11 =	simm.s32 $0x0;
	[sflag:s6] =	ssyncadd.s32 $0xFFFFD800  }
.LBB2_2:
0x10: {  	p0 =	sne.s32 s11, $0x9FC0  }
.Ltmp0:
0x11: {  	_ = 	snop;
	(pc) =	sbr.rel @p0 .LBB2_2-.Ltmp0, $3  }
0x12: {  	_ =	sdelay $0x1  }
0x13: {  	s12 =	sshra.s32 s11, $0x2  }
0x14: {  	s11 =	sadd.s32 $0x40, s11;
	[tilespmem:s12+$0x2800] =	vst v0  }
0x15: {  	s11 =	simm.s32 $0x1C0  }
.LBB2_4:
0x16: {  	s12 =	sshra.s32 s11, $0x2  }
0x17: {  	v2 =	vld [tilespmem:s12+$0xFFFFFF90];
	_ =	sdelay $0x7  }
0x18: {  	[tilespmem:v2+s7+$0x0] =	vst.idx.add.f32.msk $0xffff, v1  }
0x19: {  	v2 =	vld [tilespmem:s12+$0xFFFFFFA0];
	_ =	sdelay $0x7  }
0x1a: {  	[tilespmem:v2+s7+$0x0] =	vst.idx.add.f32.msk $0xffff, v1  }
0x1b: {  	v2 =	vld [tilespmem:s12+$0xFFFFFFB0];
	_ =	sdelay $0x7  }
0x1c: {  	[tilespmem:v2+s7+$0x0] =	vst.idx.add.f32.msk $0xffff, v1  }
0x1d: {  	v2 =	vld [tilespmem:s12+$0xFFFFFFC0];
	_ =	sdelay $0x7  }
0x1e: {  	[tilespmem:v2+s7+$0x0] =	vst.idx.add.f32.msk $0xffff, v1  }
0x1f: {  	v2 =	vld [tilespmem:s12+$0xFFFFFFD0];
	_ =	sdelay $0x7  }
0x20: {  	[tilespmem:v2+s7+$0x0] =	vst.idx.add.f32.msk $0xffff, v1  }
0x21: {  	v2 =	vld [tilespmem:s12+$0xFFFFFFE0];
	_ =	sdelay $0x7  }
0x22: {  	[tilespmem:v2+s7+$0x0] =	vst.idx.add.f32.msk $0xffff, v1  }
0x23: {  	v2 =	vld [tilespmem:s12+$0xFFFFFFF0];
	_ =	sdelay $0x7  }
0x24: {  	[tilespmem:v2+s7+$0x0] =	vst.idx.add.f32.msk $0xffff, v1  }
0x25: {  	v2 =	vld [tilespmem:s12+$0x0];
	_ =	sdelay $0x2  }
0x26: {  	p0 =	sne.s32 s11, $0x9FC0  }
.Ltmp1:
0x27: {  	_ = 	snop;
	(pc) =	sbr.rel @p0 .LBB2_4-.Ltmp1, $2  }
0x28: {  	_ =	sdelay $0x2  }
0x29: {  	s11 =	sadd.s32 $0x200, s11;
	[tilespmem:v2+s7+$0x0] =	vst.idx.add.f32.msk $0xffff, v1  }
0x2a: {  	s10 =	sadd.s32 $0x1, s10  }
0x2b: {  	p0 =	sne.s32 s10, s5  }
.Ltmp2:
0x2c: {  	_ = 	snop;
	(pc) =	sbr.rel @p0 .LBB2_1-.Ltmp2, $4  }
0x2d: {  	[hbm4b:s4+s8] =	stream.strided.scatter [tilespmem:s7], [sflag:$0x1], $0x2800, s9, s8, $0x38;
	[tilespmem:$0x5000] =	vst v63  }
0x2e: {  	_ =	swait.ge [sflag:s6], $0x2800  }
0x2f: {  	[sflag:s6] =	ssyncset.done $0x0  }
0x30: {  	[sflag:s6] =	ssyncadd.s32 $0xFFFFD800  }
0x31: {  	_ =	sfence.sel $0x180000  }
0x32: {  	[bflag:$0x0] =	sbarrier.arrive $0xFFFF  }
0x33: {  	p0 =	sne.s32 s0, $0x0;
	_ =	strace $0x90000047  }
0x34: {  	s0 =	sadd.s32 @!p0 $0x100000, s1;
	[bflag:$0x2] =	sbarrier.arrive $0xFFFF  }
0x35: {  	[sflag:s0] =	ssyncadd.tile.s32 @!p0 $0x1;
	_ =	shalt  }
.Lfunc_end2:
_tile_overlayer_lowered:
.L_overlay_start_2:
0x36: {  	(tag) =	ssettag $0x2  }
0x37: {  	s0 =	rddreg [dreg:$0x0];
	s2 =	stileid.u32  }
0x38: {  	s1 =	rddreg [dreg:$0x1];
	p0 =	sne.s32 s2, $0x0  }
0x39: {  	s3 =	rddreg [dreg:$0x2];
	[bflag:$0x3] =	sbarrier.arrive $0xFFFF;
	s2 =	simm.s32 @!p0 $0x1C01  }
0x3a: {  	[timem:s3], [sflag:s2] =	dma.local @!p0 [hbm:s0], s1  }
0x3b: {  	s0 =	simm.s32 @!p0 $0x1  }
0x3c: {  	_ =	swait.ge @!p0 [sflag:s0], s1  }
0x3d: {  	s1 =	ssub.s32 @!p0 $0x0, s1;
	[sflag:s0] =	ssyncset.done @!p0 $0x0  }
0x3e: {  	[sflag:s0] =	ssyncadd.s32 @!p0 s1  }
0x3f: {  	[bflag:$0x3] =	sbarrier.arrive $0xFFFF  }
0x40: {  	_ =	shalt  }

</sc_bundles>
